<compile_context>
chip_gen: v7x
topology: tpu7x:2x2x1
jax: 0.10.2.dev20260603
libtpu: 0.0.44.dev20260713+nightly
codegen_flags: <defaults>
</compile_context>

<pallas_src>
import functools

import jax
import jax.numpy as jnp
from jax import lax
from jax.experimental import pallas as pl
from jax.experimental.pallas import tpu as pltpu
from jax.experimental.pallas import tpu_sc as plsc

D = 128
SEQ = 200
BATCH = 1024
TOKENS = BATCH * SEQ
LN_EPS = 1e-5

CHUNK = 128
GROUPS = CHUNK // 16


def _rsqrt16(v):
    i = plsc.bitcast(v, jnp.int32)
    i = jnp.int32(0x5F3759DF) - lax.shift_right_arithmetic(i, 1)
    y = plsc.bitcast(i, jnp.float32)
    for _ in range(3):
        y = y * (1.5 - 0.5 * v * y * y)
    return y


def _make_sc_call(n_chunks, num_cores, num_subcores):
    mesh = plsc.VectorSubcoreMesh(core_axis_name="c", subcore_axis_name="s")
    n_pairs = n_chunks // 2

    @functools.partial(
        pl.kernel,
        mesh=mesh,
        out_type=jax.ShapeDtypeStruct((TOKENS * D,), jnp.float32),
        scratch_types=[
            pltpu.VMEM((CHUNK,), jnp.int32),
            pltpu.VMEM((CHUNK,), jnp.int32),
            pltpu.VMEM((CHUNK,), jnp.int32),
            pltpu.VMEM((CHUNK,), jnp.int32),
            pltpu.VMEM((CHUNK, D), jnp.float32),
            pltpu.VMEM((CHUNK, D), jnp.float32),
            pltpu.VMEM((CHUNK, D), jnp.float32),
            pltpu.VMEM((CHUNK, D), jnp.float32),
            pltpu.VMEM((CHUNK * D,), jnp.float32),
            pltpu.VMEM((CHUNK * D,), jnp.float32),
            pltpu.VMEM((D,), jnp.float32),
            pltpu.VMEM((D,), jnp.float32),
            pltpu.SemaphoreType.DMA,
            pltpu.SemaphoreType.DMA,
            pltpu.SemaphoreType.DMA,
            pltpu.SemaphoreType.DMA,
            pltpu.SemaphoreType.DMA,
            pltpu.SemaphoreType.DMA,
        ],
        compiler_params=pltpu.CompilerParams(needs_layout_passes=False),
    )
    def sc_call(word_hbm, ptable_hbm, widx_hbm, pidx_hbm, gsp_hbm, bsp_hbm,
                out_hbm,
                widx0, widx1, pidx0, pidx1, w0, w1, p0, p1, o0, o1,
                gsp_v, bsp_v,
                semw0, semw1, semp0, semp1, semo0, semo1):
        wid = lax.axis_index("s") * num_cores + lax.axis_index("c")
        widx_v = (widx0, widx1)
        pidx_v = (pidx0, pidx1)
        w_v = (w0, w1)
        p_v = (p0, p1)
        o_v = (o0, o1)
        semw = (semw0, semw1)
        semp = (semp0, semp1)
        semo = (semo0, semo1)

        pltpu.sync_copy(gsp_hbm, gsp_v)
        pltpu.sync_copy(bsp_hbm, bsp_v)
        iota16 = lax.iota(jnp.int32, 16)
        zero16 = jnp.zeros((16,), jnp.int32)
        chunk0 = wid * n_chunks

        def issue_gather(ci, par):
            base = (chunk0 + ci) * CHUNK
            pltpu.sync_copy(widx_hbm.at[pl.ds(base, CHUNK)], widx_v[par])
            pltpu.sync_copy(pidx_hbm.at[pl.ds(base, CHUNK)], pidx_v[par])
            pltpu.async_copy(word_hbm.at[widx_v[par]], w_v[par], semw[par])
            pltpu.async_copy(ptable_hbm.at[pidx_v[par]], p_v[par], semp[par])

        def wait_gather(par):
            pltpu.make_async_copy(word_hbm.at[widx_v[par]], w_v[par],
                                  semw[par]).wait()
            pltpu.make_async_copy(ptable_hbm.at[pidx_v[par]], p_v[par],
                                  semp[par]).wait()

        def wait_out(par):
            pltpu.make_async_copy(o_v[par], out_hbm.at[pl.ds(0, CHUNK * D)],
                                  semo[par]).wait()

        def compute(par):
            wv, pv, ov = w_v[par], p_v[par], o_v[par]

            @plsc.parallel_loop(0, GROUPS, step=1)
            def group_body(g):
                tok = g * 16 + iota16
                tokbase = tok * D
                zero = jnp.zeros((16,), jnp.float32)

                @plsc.parallel_loop(0, D, step=2, unroll=4,
                                    carry=(zero, zero, zero, zero))
                def stats(d, acc):
                    s0, s1, q0, q1 = acc
                    d0 = (iota16 + d) & (D - 1)
                    d1 = (d0 + 1) & (D - 1)
                    f0 = tokbase + d0
                    f1 = tokbase + d1
                    w0g = plsc.load_gather(wv, [tok, d0])
                    p0g = plsc.load_gather(pv, [tok, d0])
                    w1g = plsc.load_gather(wv, [tok, d1])
                    p1g = plsc.load_gather(pv, [tok, d1])
                    x0 = w0g + p0g
                    x1 = w1g + p1g
                    plsc.store_scatter(ov, [f0], x0)
                    plsc.store_scatter(ov, [f1], x1)
                    return (s0 + x0, s1 + x1, q0 + x0 * x0, q1 + x1 * x1)

                s0, s1, q0, q1 = stats
                mean = (s0 + s1) * (1.0 / D)
                var = (q0 + q1) * (1.0 / D) - mean * mean
                rstd = _rsqrt16(var + LN_EPS)

                @plsc.parallel_loop(0, D, step=1, unroll=8)
                def norm(d):
                    f = tokbase + ((iota16 + d) & (D - 1))
                    x = plsc.load_gather(ov, [f])
                    y = (x - mean) * rstd
                    plsc.store_scatter(ov, [f], y)

            gk = [gsp_v[pl.ds(k * 16, 16)] for k in range(8)]
            bk = [bsp_v[pl.ds(k * 16, 16)] for k in range(8)]

            @plsc.parallel_loop(0, CHUNK, step=1, unroll=2)
            def fixup(t):
                rowbase = t * D
                for k in range(8):
                    sl = pl.ds(rowbase + k * 16, 16)
                    ov[sl] = ov[sl] * gk[k] + bk[k]

        def chunk_step(ci, par, pair):
            wait_gather(par)

            @pl.when(ci + 1 < n_chunks)
            def _():
                issue_gather(ci + 1, 1 - par)

            @pl.when(pair >= 1)
            def _():
                wait_out(par)

            compute(par)
            base = (chunk0 + ci) * CHUNK
            pltpu.async_copy(o_v[par], out_hbm.at[pl.ds(base * D, CHUNK * D)],
                             semo[par])

        issue_gather(0, 0)

        def pair_body(pair, carry):
            chunk_step(2 * pair, 0, pair)
            chunk_step(2 * pair + 1, 1, pair)
            return carry

        lax.fori_loop(0, n_pairs, pair_body, 0)
        wait_out(0)
        wait_out(1)

    return sc_call


def kernel(input_ids, token_type_ids, word_emb, pos_emb, type_emb, gamma, beta):
    info = plsc.get_sparse_core_info()
    nw = info.num_cores * info.num_subcores
    n_chunks = TOKENS // (nw * CHUNK)
    assert TOKENS == n_chunks * nw * CHUNK and n_chunks % 2 == 0

    widx = input_ids.reshape(TOKENS).astype(jnp.int32)
    pidx = (2 * jnp.arange(SEQ, dtype=jnp.int32)[None, :]
            + token_type_ids.astype(jnp.int32)).reshape(TOKENS)
    ptable = (pos_emb[:, None, :] + type_emb[None, :, :]).reshape(2 * SEQ, D)

    sc_call = _make_sc_call(n_chunks, info.num_cores, info.num_subcores)
    out = sc_call(word_emb, ptable, widx, pidx, gamma, beta)
    return out.reshape(BATCH, SEQ, D)

# --- scband reference (transcript-rebuilt; emitter-appended) ---
"""Pipeline reference for scband-bertembedding-5892695130561 (READ-ONLY COPY).

The authoritative reference and input builder live on the scoring server;
editing this copy changes nothing except your own understanding.
"""

import jax, jax.numpy as jnp
import numpy as np

VOCAB = 100000
D_MODEL = 128
SEQ_LEN = 200
BATCH = 1024
LN_EPS = 1e-5  # torch nn.LayerNorm default (the eps kwarg is ignored by the wrapper)


def setup_inputs(seed: int = 0) -> dict:
    key = jax.random.key(seed)
    k1, k2, k3, k4, k5 = jax.random.split(key, 5)
    input_ids = jax.random.randint(k1, (BATCH, SEQ_LEN), 0, VOCAB, dtype=jnp.int64 if jax.config.jax_enable_x64 else jnp.int32)
    token_type_ids = jax.random.randint(k2, (BATCH, SEQ_LEN), 0, 2, dtype=jnp.int64 if jax.config.jax_enable_x64 else jnp.int32)
    word_emb = jax.random.normal(k3, (VOCAB, D_MODEL), dtype=jnp.float32) * 0.02
    pos_emb = jax.random.normal(k4, (SEQ_LEN, D_MODEL), dtype=jnp.float32) * 0.02
    type_emb = jax.random.normal(k5, (2, D_MODEL), dtype=jnp.float32) * 0.02
    gamma = jnp.ones((D_MODEL,), dtype=jnp.float32)
    beta = jnp.zeros((D_MODEL,), dtype=jnp.float32)
    return {
        "input_ids": input_ids,
        "token_type_ids": token_type_ids,
        "word_emb": word_emb,
        "pos_emb": pos_emb,
        "type_emb": type_emb,
        "gamma": gamma,
        "beta": beta,
    }


def reference(input_ids, token_type_ids, word_emb, pos_emb, type_emb, gamma, beta):
    position_ids = jnp.arange(SEQ_LEN)
    w = jnp.take(word_emb, input_ids, axis=0)            # [B, S, D]
    p = jnp.take(pos_emb, position_ids, axis=0)          # [S, D]
    t = jnp.take(type_emb, token_type_ids, axis=0)       # [B, S, D]
    x = w + p[None, :, :] + t
    mean = jnp.mean(x, axis=-1, keepdims=True)
    var = jnp.mean((x - mean) ** 2, axis=-1, keepdims=True)
    normed = (x - mean) / jnp.sqrt(var + LN_EPS)
    out = normed * gamma + beta
    # dropout is identity in eval mode
    return out

if __name__ == "__main__":
    import jax
    _d = setup_inputs()
    print(jax.jit(kernel)(*tuple(_d.values())))

</pallas_src>

<mosaic_0001>
#map = affine_map<(d0, d1) -> (0, 0)>
#map1 = affine_map<(d0, d1) -> (0)>
module attributes {stable_mosaic.version = 14 : i64} {
  func.func @sc_call(%arg0: i32, %arg1: i32, %arg2: memref<100000x128xf32, #tpu.memory_space<hbm>>, %arg3: memref<400x128xf32, #tpu.memory_space<hbm>>, %arg4: memref<204800xi32, #tpu.memory_space<hbm>>, %arg5: memref<204800xi32, #tpu.memory_space<hbm>>, %arg6: memref<128xf32, #tpu.memory_space<hbm>>, %arg7: memref<128xf32, #tpu.memory_space<hbm>>, %arg8: memref<26214400xf32, #tpu.memory_space<hbm>>, %arg9: memref<128xi32, #tpu.memory_space<vmem>>, %arg10: memref<128xi32, #tpu.memory_space<vmem>>, %arg11: memref<128xi32, #tpu.memory_space<vmem>>, %arg12: memref<128xi32, #tpu.memory_space<vmem>>, %arg13: memref<128x128xf32, #tpu.memory_space<vmem>>, %arg14: memref<128x128xf32, #tpu.memory_space<vmem>>, %arg15: memref<128x128xf32, #tpu.memory_space<vmem>>, %arg16: memref<128x128xf32, #tpu.memory_space<vmem>>, %arg17: memref<16384xf32, #tpu.memory_space<vmem>>, %arg18: memref<16384xf32, #tpu.memory_space<vmem>>, %arg19: memref<128xf32, #tpu.memory_space<vmem>>, %arg20: memref<128xf32, #tpu.memory_space<vmem>>, %arg21: memref<!tpu.dma_semaphore, #tpu.memory_space<semaphore_mem>>, %arg22: memref<!tpu.dma_semaphore, #tpu.memory_space<semaphore_mem>>, %arg23: memref<!tpu.dma_semaphore, #tpu.memory_space<semaphore_mem>>, %arg24: memref<!tpu.dma_semaphore, #tpu.memory_space<semaphore_mem>>, %arg25: memref<!tpu.dma_semaphore, #tpu.memory_space<semaphore_mem>>, %arg26: memref<!tpu.dma_semaphore, #tpu.memory_space<semaphore_mem>>) attributes {dimension_semantics = [#tpu.dimension_semantics<core_parallel>, #tpu.dimension_semantics<subcore_parallel>], iteration_bounds = array<i64: 2, 16>, scalar_prefetch = 0 : i64, scratch_operands = 18 : i64, tpu.core_type = #tpu.core_type<sc_vector_subcore>, window_params = [{transform_indices = #map}, {transform_indices = #map}, {transform_indices = #map1}, {transform_indices = #map1}, {transform_indices = #map1}, {transform_indices = #map1}, {transform_indices = #map1}]} {
    %mul3A = arith.constant 2 : i32
    %mul3A_0 = arith.muli %arg1, %mul3A : i32
    %add3A = arith.addi %mul3A_0, %arg0 : i32
    "tpu.region"() ({
      %run_scoped3A = tpu.sem_alloc : memref<!tpu.dma_semaphore, #tpu.memory_space<semaphore_mem>>
      tpu.enqueue_dma source(%arg6 : memref<128xf32, #tpu.memory_space<hbm>>) target(%arg19 : memref<128xf32, #tpu.memory_space<vmem>>) target_semaphore(%run_scoped3A : memref<!tpu.dma_semaphore, #tpu.memory_space<semaphore_mem>>)
      tpu.wait_dma2 semaphore(%run_scoped3A : memref<!tpu.dma_semaphore, #tpu.memory_space<semaphore_mem>>) src(%arg6 : memref<128xf32, #tpu.memory_space<hbm>>) dst(%arg19 : memref<128xf32, #tpu.memory_space<vmem>>)
      tpu.yield
    }) : () -> ()
    "tpu.region"() ({
      %run_scoped3A = tpu.sem_alloc : memref<!tpu.dma_semaphore, #tpu.memory_space<semaphore_mem>>
      tpu.enqueue_dma source(%arg7 : memref<128xf32, #tpu.memory_space<hbm>>) target(%arg20 : memref<128xf32, #tpu.memory_space<vmem>>) target_semaphore(%run_scoped3A : memref<!tpu.dma_semaphore, #tpu.memory_space<semaphore_mem>>)
      tpu.wait_dma2 semaphore(%run_scoped3A : memref<!tpu.dma_semaphore, #tpu.memory_space<semaphore_mem>>) src(%arg7 : memref<128xf32, #tpu.memory_space<hbm>>) dst(%arg20 : memref<128xf32, #tpu.memory_space<vmem>>)
      tpu.yield
    }) : () -> ()
    %iota3A = tpu.iota {dimensions = array<i32: 0>} : vector<16xi32>
    %broadcast_in_dim3A = arith.constant 0 : i32
    %broadcast_in_dim3A_1 = vector.broadcast %broadcast_in_dim3A : i32 to vector<16xi32>
    %mul3A_2 = arith.constant 50 : i32
    %mul3A_3 = arith.muli %add3A, %mul3A_2 : i32
    %add3A_4 = arith.constant 0 : i32
    %add3A_5 = arith.addi %mul3A_3, %add3A_4 : i32
    %mul3A_6 = arith.constant 128 : i32
    %mul3A_7 = arith.muli %add3A_5, %mul3A_6 : i32
    "tpu.region"() ({
      %run_scoped3A = tpu.sem_alloc : memref<!tpu.dma_semaphore, #tpu.memory_space<semaphore_mem>>
      %dma_start3A_25 = tpu.memref_slice %arg4[%mul3A_7] : memref<204800xi32, #tpu.memory_space<hbm>> -> memref<128xi32, #tpu.memory_space<hbm>>
      %dma_start3A_26 = tpu.memref_slice %arg4[%mul3A_7] : memref<204800xi32, #tpu.memory_space<hbm>> -> memref<128xi32, #tpu.memory_space<hbm>>
      tpu.enqueue_dma source(%dma_start3A_26 : memref<128xi32, #tpu.memory_space<hbm>>) target(%arg9 : memref<128xi32, #tpu.memory_space<vmem>>) target_semaphore(%run_scoped3A : memref<!tpu.dma_semaphore, #tpu.memory_space<semaphore_mem>>)
      %dma_wait3A_27 = tpu.memref_slice %arg4[%mul3A_7] : memref<204800xi32, #tpu.memory_space<hbm>> -> memref<128xi32, #tpu.memory_space<hbm>>
      %dma_wait3A_28 = tpu.memref_slice %arg4[%mul3A_7] : memref<204800xi32, #tpu.memory_space<hbm>> -> memref<128xi32, #tpu.memory_space<hbm>>
      tpu.wait_dma2 semaphore(%run_scoped3A : memref<!tpu.dma_semaphore, #tpu.memory_space<semaphore_mem>>) src(%dma_wait3A_28 : memref<128xi32, #tpu.memory_space<hbm>>) dst(%arg9 : memref<128xi32, #tpu.memory_space<vmem>>)
      tpu.yield
    }) : () -> ()
    "tpu.region"() ({
      %run_scoped3A = tpu.sem_alloc : memref<!tpu.dma_semaphore, #tpu.memory_space<semaphore_mem>>
      %dma_start3A_25 = tpu.memref_slice %arg5[%mul3A_7] : memref<204800xi32, #tpu.memory_space<hbm>> -> memref<128xi32, #tpu.memory_space<hbm>>
      %dma_start3A_26 = tpu.memref_slice %arg5[%mul3A_7] : memref<204800xi32, #tpu.memory_space<hbm>> -> memref<128xi32, #tpu.memory_space<hbm>>
      tpu.enqueue_dma source(%dma_start3A_26 : memref<128xi32, #tpu.memory_space<hbm>>) target(%arg11 : memref<128xi32, #tpu.memory_space<vmem>>) target_semaphore(%run_scoped3A : memref<!tpu.dma_semaphore, #tpu.memory_space<semaphore_mem>>)
      %dma_wait3A_27 = tpu.memref_slice %arg5[%mul3A_7] : memref<204800xi32, #tpu.memory_space<hbm>> -> memref<128xi32, #tpu.memory_space<hbm>>
      %dma_wait3A_28 = tpu.memref_slice %arg5[%mul3A_7] : memref<204800xi32, #tpu.memory_space<hbm>> -> memref<128xi32, #tpu.memory_space<hbm>>
      tpu.wait_dma2 semaphore(%run_scoped3A : memref<!tpu.dma_semaphore, #tpu.memory_space<semaphore_mem>>) src(%dma_wait3A_28 : memref<128xi32, #tpu.memory_space<hbm>>) dst(%arg11 : memref<128xi32, #tpu.memory_space<vmem>>)
      tpu.yield
    }) : () -> ()
    %dma_start3A = arith.constant 0 : i32
    %dma_start3A_8 = arith.constant 0 : i32
    %dma_start3A_9 = tpu.memref_slice %arg2[%dma_start3A, %dma_start3A_8] : memref<100000x128xf32, #tpu.memory_space<hbm>> -> memref<100000x128xf32, #tpu.memory_space<hbm>>
    tpu.enqueue_indirect_dma source(%dma_start3A_9 : memref<100000x128xf32, #tpu.memory_space<hbm>>) target(%arg13 : memref<128x128xf32, #tpu.memory_space<vmem>>) offsets(%arg9 : memref<128xi32, #tpu.memory_space<vmem>>) semaphore(%arg21 : memref<!tpu.dma_semaphore, #tpu.memory_space<semaphore_mem>>)
    %dma_start3A_10 = arith.constant 0 : i32
    %dma_start3A_11 = arith.constant 0 : i32
    %dma_start3A_12 = tpu.memref_slice %arg3[%dma_start3A_10, %dma_start3A_11] : memref<400x128xf32, #tpu.memory_space<hbm>> -> memref<400x128xf32, #tpu.memory_space<hbm>>
    tpu.enqueue_indirect_dma source(%dma_start3A_12 : memref<400x128xf32, #tpu.memory_space<hbm>>) target(%arg15 : memref<128x128xf32, #tpu.memory_space<vmem>>) offsets(%arg11 : memref<128xi32, #tpu.memory_space<vmem>>) semaphore(%arg23 : memref<!tpu.dma_semaphore, #tpu.memory_space<semaphore_mem>>)
    %scan3A = arith.constant 0 : i32
    %scan3A_13 = arith.constant 0 : i32
    %scan3A_14 = arith.constant 25 : i32
    %scan3A_15 = arith.addi %scan3A_13, %scan3A_14 : i32
    %scan3A_16 = arith.constant 1 : i32
    scf.for %scan3A_25 = %scan3A_13 to %scan3A_15 step %scan3A_16  : i32 {
      %mul3A_26 = arith.constant 2 : i32
      %mul3A_27 = arith.muli %mul3A_26, %scan3A_25 : i32
      %dma_wait3A_28 = arith.constant 0 : i32
      %dma_wait3A_29 = arith.constant 0 : i32
      %dma_wait3A_30 = tpu.memref_slice %arg2[%dma_wait3A_28, %dma_wait3A_29] : memref<100000x128xf32, #tpu.memory_space<hbm>> -> memref<100000x128xf32, #tpu.memory_space<hbm>>
      tpu.wait_indirect_dma semaphore(%arg21 : memref<!tpu.dma_semaphore, #tpu.memory_space<semaphore_mem>>) src(%dma_wait3A_30 : memref<100000x128xf32, #tpu.memory_space<hbm>>) dst(%arg13 : memref<128x128xf32, #tpu.memory_space<vmem>>)
      %dma_wait3A_31 = arith.constant 0 : i32
      %dma_wait3A_32 = arith.constant 0 : i32
      %dma_wait3A_33 = tpu.memref_slice %arg3[%dma_wait3A_31, %dma_wait3A_32] : memref<400x128xf32, #tpu.memory_space<hbm>> -> memref<400x128xf32, #tpu.memory_space<hbm>>
      tpu.wait_indirect_dma semaphore(%arg23 : memref<!tpu.dma_semaphore, #tpu.memory_space<semaphore_mem>>) src(%dma_wait3A_33 : memref<400x128xf32, #tpu.memory_space<hbm>>) dst(%arg15 : memref<128x128xf32, #tpu.memory_space<vmem>>)
      %add3A_34 = arith.constant 1 : i32
      %add3A_35 = arith.addi %mul3A_27, %add3A_34 : i32
      %lt3A = arith.constant 50 : i32
      %lt3A_36 = arith.cmpi slt, %add3A_35, %lt3A : i32
      %convert_element_type3A = arith.extui %lt3A_36 : i1 to i32
      %cond3A = arith.constant 0 : i32
      %cond3A_37 = arith.cmpi ne, %convert_element_type3A, %cond3A : i32
      scf.if %cond3A_37 {
        %add3A_152 = arith.constant 1 : i32
        %add3A_153 = arith.addi %mul3A_27, %add3A_152 : i32
        %add3A_154 = arith.addi %mul3A_3, %add3A_153 : i32
        %mul3A_155 = arith.constant 128 : i32
        %mul3A_156 = arith.muli %add3A_154, %mul3A_155 : i32
        "tpu.region"() ({
          %run_scoped3A = tpu.sem_alloc : memref<!tpu.dma_semaphore, #tpu.memory_space<semaphore_mem>>
          %dma_start3A_163 = tpu.memref_slice %arg4[%mul3A_156] : memref<204800xi32, #tpu.memory_space<hbm>> -> memref<128xi32, #tpu.memory_space<hbm>>
          %dma_start3A_164 = tpu.memref_slice %arg4[%mul3A_156] : memref<204800xi32, #tpu.memory_space<hbm>> -> memref<128xi32, #tpu.memory_space<hbm>>
          tpu.enqueue_dma source(%dma_start3A_164 : memref<128xi32, #tpu.memory_space<hbm>>) target(%arg10 : memref<128xi32, #tpu.memory_space<vmem>>) target_semaphore(%run_scoped3A : memref<!tpu.dma_semaphore, #tpu.memory_space<semaphore_mem>>)
          %dma_wait3A_165 = tpu.memref_slice %arg4[%mul3A_156] : memref<204800xi32, #tpu.memory_space<hbm>> -> memref<128xi32, #tpu.memory_space<hbm>>
          %dma_wait3A_166 = tpu.memref_slice %arg4[%mul3A_156] : memref<204800xi32, #tpu.memory_space<hbm>> -> memref<128xi32, #tpu.memory_space<hbm>>
          tpu.wait_dma2 semaphore(%run_scoped3A : memref<!tpu.dma_semaphore, #tpu.memory_space<semaphore_mem>>) src(%dma_wait3A_166 : memref<128xi32, #tpu.memory_space<hbm>>) dst(%arg10 : memref<128xi32, #tpu.memory_space<vmem>>)
          tpu.yield
        }) : () -> ()
        "tpu.region"() ({
          %run_scoped3A = tpu.sem_alloc : memref<!tpu.dma_semaphore, #tpu.memory_space<semaphore_mem>>
          %dma_start3A_163 = tpu.memref_slice %arg5[%mul3A_156] : memref<204800xi32, #tpu.memory_space<hbm>> -> memref<128xi32, #tpu.memory_space<hbm>>
          %dma_start3A_164 = tpu.memref_slice %arg5[%mul3A_156] : memref<204800xi32, #tpu.memory_space<hbm>> -> memref<128xi32, #tpu.memory_space<hbm>>
          tpu.enqueue_dma source(%dma_start3A_164 : memref<128xi32, #tpu.memory_space<hbm>>) target(%arg12 : memref<128xi32, #tpu.memory_space<vmem>>) target_semaphore(%run_scoped3A : memref<!tpu.dma_semaphore, #tpu.memory_space<semaphore_mem>>)
          %dma_wait3A_165 = tpu.memref_slice %arg5[%mul3A_156] : memref<204800xi32, #tpu.memory_space<hbm>> -> memref<128xi32, #tpu.memory_space<hbm>>
          %dma_wait3A_166 = tpu.memref_slice %arg5[%mul3A_156] : memref<204800xi32, #tpu.memory_space<hbm>> -> memref<128xi32, #tpu.memory_space<hbm>>
          tpu.wait_dma2 semaphore(%run_scoped3A : memref<!tpu.dma_semaphore, #tpu.memory_space<semaphore_mem>>) src(%dma_wait3A_166 : memref<128xi32, #tpu.memory_space<hbm>>) dst(%arg12 : memref<128xi32, #tpu.memory_space<vmem>>)
          tpu.yield
        }) : () -> ()
        %dma_start3A_157 = arith.constant 0 : i32
        %dma_start3A_158 = arith.constant 0 : i32
        %dma_start3A_159 = tpu.memref_slice %arg2[%dma_start3A_157, %dma_start3A_158] : memref<100000x128xf32, #tpu.memory_space<hbm>> -> memref<100000x128xf32, #tpu.memory_space<hbm>>
        tpu.enqueue_indirect_dma source(%dma_start3A_159 : memref<100000x128xf32, #tpu.memory_space<hbm>>) target(%arg14 : memref<128x128xf32, #tpu.memory_space<vmem>>) offsets(%arg10 : memref<128xi32, #tpu.memory_space<vmem>>) semaphore(%arg22 : memref<!tpu.dma_semaphore, #tpu.memory_space<semaphore_mem>>)
        %dma_start3A_160 = arith.constant 0 : i32
        %dma_start3A_161 = arith.constant 0 : i32
        %dma_start3A_162 = tpu.memref_slice %arg3[%dma_start3A_160, %dma_start3A_161] : memref<400x128xf32, #tpu.memory_space<hbm>> -> memref<400x128xf32, #tpu.memory_space<hbm>>
        tpu.enqueue_indirect_dma source(%dma_start3A_162 : memref<400x128xf32, #tpu.memory_space<hbm>>) target(%arg16 : memref<128x128xf32, #tpu.memory_space<vmem>>) offsets(%arg12 : memref<128xi32, #tpu.memory_space<vmem>>) semaphore(%arg24 : memref<!tpu.dma_semaphore, #tpu.memory_space<semaphore_mem>>)
      } else {
      }
      %ge3A = arith.constant 1 : i32
      %ge3A_38 = arith.cmpi sge, %scan3A_25, %ge3A : i32
      %convert_element_type3A_39 = arith.extui %ge3A_38 : i1 to i32
      %cond3A_40 = arith.constant 0 : i32
      %cond3A_41 = arith.cmpi ne, %convert_element_type3A_39, %cond3A_40 : i32
      scf.if %cond3A_41 {
        %dma_wait3A_152 = arith.constant 0 : i32
        %dma_wait3A_153 = tpu.memref_slice %arg8[%dma_wait3A_152] : memref<26214400xf32, #tpu.memory_space<hbm>> -> memref<16384xf32, #tpu.memory_space<hbm>>
        %dma_wait3A_154 = arith.constant 0 : i32
        %dma_wait3A_155 = tpu.memref_slice %arg8[%dma_wait3A_154] : memref<26214400xf32, #tpu.memory_space<hbm>> -> memref<16384xf32, #tpu.memory_space<hbm>>
        tpu.wait_dma2 semaphore(%arg25 : memref<!tpu.dma_semaphore, #tpu.memory_space<semaphore_mem>>) src(%arg17 : memref<16384xf32, #tpu.memory_space<vmem>>) dst(%dma_wait3A_155 : memref<16384xf32, #tpu.memory_space<hbm>>)
      } else {
      }
      %parallel_loop3A = arith.constant 0 : i32
      %parallel_loop3A_42 = arith.constant 8 : i32
      %parallel_loop3A_43 = arith.constant 1 : i32
      scf.for %parallel_loop3A_152 = %parallel_loop3A to %parallel_loop3A_42 step %parallel_loop3A_43  : i32 {
        %parallel_loop3A_153 = arith.constant 16 : i32
        %parallel_loop3A_154 = arith.muli %parallel_loop3A_152, %parallel_loop3A_153 : i32
        %parallel_loop3A_155 = vector.broadcast %parallel_loop3A_154 : i32 to vector<16xi32>
        %parallel_loop3A_156 = arith.addi %parallel_loop3A_155, %iota3A : vector<16xi32>
        %parallel_loop3A_157 = arith.constant 128 : i32
        %parallel_loop3A_158 = vector.broadcast %parallel_loop3A_157 : i32 to vector<16xi32>
        %parallel_loop3A_159 = arith.muli %parallel_loop3A_156, %parallel_loop3A_158 : vector<16xi32>
        %parallel_loop3A_160 = arith.constant 0.000000e+00 : f32
        %parallel_loop3A_161 = vector.broadcast %parallel_loop3A_160 : f32 to vector<16xf32>
        %parallel_loop3A_162 = arith.constant 0 : i32
        %parallel_loop3A_163 = arith.constant 128 : i32
        %parallel_loop3A_164 = arith.constant 2 : i32
        %parallel_loop3A_165:4 = scf.for %parallel_loop3A_217 = %parallel_loop3A_162 to %parallel_loop3A_163 step %parallel_loop3A_164 iter_args(%parallel_loop3A_218 = %parallel_loop3A_161, %parallel_loop3A_219 = %parallel_loop3A_161, %parallel_loop3A_220 = %parallel_loop3A_161, %parallel_loop3A_221 = %parallel_loop3A_161) -> (vector<16xf32>, vector<16xf32>, vector<16xf32>, vector<16xf32>)  : i32 {
          %parallel_loop3A_222 = vector.broadcast %parallel_loop3A_217 : i32 to vector<16xi32>
          %parallel_loop3A_223 = arith.addi %iota3A, %parallel_loop3A_222 : vector<16xi32>
          %parallel_loop3A_224 = arith.constant 127 : i32
          %parallel_loop3A_225 = vector.broadcast %parallel_loop3A_224 : i32 to vector<16xi32>
          %parallel_loop3A_226 = arith.andi %parallel_loop3A_223, %parallel_loop3A_225 : vector<16xi32>
          %parallel_loop3A_227 = arith.constant 1 : i32
          %parallel_loop3A_228 = vector.broadcast %parallel_loop3A_227 : i32 to vector<16xi32>
          %parallel_loop3A_229 = arith.addi %parallel_loop3A_226, %parallel_loop3A_228 : vector<16xi32>
          %parallel_loop3A_230 = arith.constant 127 : i32
          %parallel_loop3A_231 = vector.broadcast %parallel_loop3A_230 : i32 to vector<16xi32>
          %parallel_loop3A_232 = arith.andi %parallel_loop3A_229, %parallel_loop3A_231 : vector<16xi32>
          %parallel_loop3A_233 = arith.addi %parallel_loop3A_159, %parallel_loop3A_226 : vector<16xi32>
          %parallel_loop3A_234 = arith.addi %parallel_loop3A_159, %parallel_loop3A_232 : vector<16xi32>
          %parallel_loop3A_235 = tpu.vector_load_idx %arg13[%parallel_loop3A_156, %parallel_loop3A_226] : memref<128x128xf32, #tpu.memory_space<vmem>>[vector<16xi32>, vector<16xi32>], vector<16xf32>,
          %parallel_loop3A_236 = tpu.vector_load_idx %arg15[%parallel_loop3A_156, %parallel_loop3A_226] : memref<128x128xf32, #tpu.memory_space<vmem>>[vector<16xi32>, vector<16xi32>], vector<16xf32>,
          %parallel_loop3A_237 = tpu.vector_load_idx %arg13[%parallel_loop3A_156, %parallel_loop3A_232] : memref<128x128xf32, #tpu.memory_space<vmem>>[vector<16xi32>, vector<16xi32>], vector<16xf32>,
          %parallel_loop3A_238 = tpu.vector_load_idx %arg15[%parallel_loop3A_156, %parallel_loop3A_232] : memref<128x128xf32, #tpu.memory_space<vmem>>[vector<16xi32>, vector<16xi32>], vector<16xf32>,
          %parallel_loop3A_239 = arith.addf %parallel_loop3A_235, %parallel_loop3A_236 : vector<16xf32>
          %parallel_loop3A_240 = arith.addf %parallel_loop3A_237, %parallel_loop3A_238 : vector<16xf32>
          tpu.vector_store_idx %arg17[%parallel_loop3A_233], %parallel_loop3A_239 : memref<16384xf32, #tpu.memory_space<vmem>>[vector<16xi32>], vector<16xf32>,
          tpu.vector_store_idx %arg17[%parallel_loop3A_234], %parallel_loop3A_240 : memref<16384xf32, #tpu.memory_space<vmem>>[vector<16xi32>], vector<16xf32>,
          %parallel_loop3A_241 = arith.addf %parallel_loop3A_218, %parallel_loop3A_239 : vector<16xf32>
          %parallel_loop3A_242 = arith.addf %parallel_loop3A_219, %parallel_loop3A_240 : vector<16xf32>
          %parallel_loop3A_243 = arith.mulf %parallel_loop3A_239, %parallel_loop3A_239 : vector<16xf32>
          %parallel_loop3A_244 = arith.addf %parallel_loop3A_220, %parallel_loop3A_243 : vector<16xf32>
          %parallel_loop3A_245 = arith.mulf %parallel_loop3A_240, %parallel_loop3A_240 : vector<16xf32>
          %parallel_loop3A_246 = arith.addf %parallel_loop3A_221, %parallel_loop3A_245 : vector<16xf32>
          scf.yield %parallel_loop3A_241, %parallel_loop3A_242, %parallel_loop3A_244, %parallel_loop3A_246 : vector<16xf32>, vector<16xf32>, vector<16xf32>, vector<16xf32>
        } {sc.loop_unroll_factor = 4 : i64, sc.parallel_access}
        %parallel_loop3A_166 = arith.addf %parallel_loop3A_165#0, %parallel_loop3A_165#1 : vector<16xf32>
        %parallel_loop3A_167 = arith.constant 7.812500e-03 : f32
        %parallel_loop3A_168 = vector.broadcast %parallel_loop3A_167 : f32 to vector<16xf32>
        %parallel_loop3A_169 = arith.mulf %parallel_loop3A_166, %parallel_loop3A_168 : vector<16xf32>
        %parallel_loop3A_170 = arith.addf %parallel_loop3A_165#2, %parallel_loop3A_165#3 : vector<16xf32>
        %parallel_loop3A_171 = arith.constant 7.812500e-03 : f32
        %parallel_loop3A_172 = vector.broadcast %parallel_loop3A_171 : f32 to vector<16xf32>
        %parallel_loop3A_173 = arith.mulf %parallel_loop3A_170, %parallel_loop3A_172 : vector<16xf32>
        %parallel_loop3A_174 = arith.mulf %parallel_loop3A_169, %parallel_loop3A_169 : vector<16xf32>
        %parallel_loop3A_175 = arith.subf %parallel_loop3A_173, %parallel_loop3A_174 : vector<16xf32>
        %parallel_loop3A_176 = arith.constant 9.99999974E-6 : f32
        %parallel_loop3A_177 = vector.broadcast %parallel_loop3A_176 : f32 to vector<16xf32>
        %parallel_loop3A_178 = arith.addf %parallel_loop3A_175, %parallel_loop3A_177 : vector<16xf32>
        %parallel_loop3A_179 = vector.bitcast %parallel_loop3A_178 : vector<16xf32> to vector<16xi32>
        %parallel_loop3A_180 = arith.constant 1 : i32
        %parallel_loop3A_181 = vector.broadcast %parallel_loop3A_180 : i32 to vector<16xi32>
        %parallel_loop3A_182 = arith.shrsi %parallel_loop3A_179, %parallel_loop3A_181 : vector<16xi32>
        %parallel_loop3A_183 = arith.constant 1597463007 : i32
        %parallel_loop3A_184 = vector.broadcast %parallel_loop3A_183 : i32 to vector<16xi32>
        %parallel_loop3A_185 = arith.subi %parallel_loop3A_184, %parallel_loop3A_182 : vector<16xi32>
        %parallel_loop3A_186 = vector.bitcast %parallel_loop3A_185 : vector<16xi32> to vector<16xf32>
        %parallel_loop3A_187 = arith.constant 5.000000e-01 : f32
        %parallel_loop3A_188 = vector.broadcast %parallel_loop3A_187 : f32 to vector<16xf32>
        %parallel_loop3A_189 = arith.mulf %parallel_loop3A_188, %parallel_loop3A_178 : vector<16xf32>
        %parallel_loop3A_190 = arith.mulf %parallel_loop3A_189, %parallel_loop3A_186 : vector<16xf32>
        %parallel_loop3A_191 = arith.mulf %parallel_loop3A_190, %parallel_loop3A_186 : vector<16xf32>
        %parallel_loop3A_192 = arith.constant 1.500000e+00 : f32
        %parallel_loop3A_193 = vector.broadcast %parallel_loop3A_192 : f32 to vector<16xf32>
        %parallel_loop3A_194 = arith.subf %parallel_loop3A_193, %parallel_loop3A_191 : vector<16xf32>
        %parallel_loop3A_195 = arith.mulf %parallel_loop3A_186, %parallel_loop3A_194 : vector<16xf32>
        %parallel_loop3A_196 = arith.constant 5.000000e-01 : f32
        %parallel_loop3A_197 = vector.broadcast %parallel_loop3A_196 : f32 to vector<16xf32>
        %parallel_loop3A_198 = arith.mulf %parallel_loop3A_197, %parallel_loop3A_178 : vector<16xf32>
        %parallel_loop3A_199 = arith.mulf %parallel_loop3A_198, %parallel_loop3A_195 : vector<16xf32>
        %parallel_loop3A_200 = arith.mulf %parallel_loop3A_199, %parallel_loop3A_195 : vector<16xf32>
        %parallel_loop3A_201 = arith.constant 1.500000e+00 : f32
        %parallel_loop3A_202 = vector.broadcast %parallel_loop3A_201 : f32 to vector<16xf32>
        %parallel_loop3A_203 = arith.subf %parallel_loop3A_202, %parallel_loop3A_200 : vector<16xf32>
        %parallel_loop3A_204 = arith.mulf %parallel_loop3A_195, %parallel_loop3A_203 : vector<16xf32>
        %parallel_loop3A_205 = arith.constant 5.000000e-01 : f32
        %parallel_loop3A_206 = vector.broadcast %parallel_loop3A_205 : f32 to vector<16xf32>
        %parallel_loop3A_207 = arith.mulf %parallel_loop3A_206, %parallel_loop3A_178 : vector<16xf32>
        %parallel_loop3A_208 = arith.mulf %parallel_loop3A_207, %parallel_loop3A_204 : vector<16xf32>
        %parallel_loop3A_209 = arith.mulf %parallel_loop3A_208, %parallel_loop3A_204 : vector<16xf32>
        %parallel_loop3A_210 = arith.constant 1.500000e+00 : f32
        %parallel_loop3A_211 = vector.broadcast %parallel_loop3A_210 : f32 to vector<16xf32>
        %parallel_loop3A_212 = arith.subf %parallel_loop3A_211, %parallel_loop3A_209 : vector<16xf32>
        %parallel_loop3A_213 = arith.mulf %parallel_loop3A_204, %parallel_loop3A_212 : vector<16xf32>
        %parallel_loop3A_214 = arith.constant 0 : i32
        %parallel_loop3A_215 = arith.constant 128 : i32
        %parallel_loop3A_216 = arith.constant 1 : i32
        scf.for %parallel_loop3A_217 = %parallel_loop3A_214 to %parallel_loop3A_215 step %parallel_loop3A_216  : i32 {
          %parallel_loop3A_218 = vector.broadcast %parallel_loop3A_217 : i32 to vector<16xi32>
          %parallel_loop3A_219 = arith.addi %iota3A, %parallel_loop3A_218 : vector<16xi32>
          %parallel_loop3A_220 = arith.constant 127 : i32
          %parallel_loop3A_221 = vector.broadcast %parallel_loop3A_220 : i32 to vector<16xi32>
          %parallel_loop3A_222 = arith.andi %parallel_loop3A_219, %parallel_loop3A_221 : vector<16xi32>
          %parallel_loop3A_223 = arith.addi %parallel_loop3A_159, %parallel_loop3A_222 : vector<16xi32>
          %parallel_loop3A_224 = tpu.vector_load_idx %arg17[%parallel_loop3A_223] : memref<16384xf32, #tpu.memory_space<vmem>>[vector<16xi32>], vector<16xf32>,
          %parallel_loop3A_225 = arith.subf %parallel_loop3A_224, %parallel_loop3A_169 : vector<16xf32>
          %parallel_loop3A_226 = arith.mulf %parallel_loop3A_225, %parallel_loop3A_213 : vector<16xf32>
          tpu.vector_store_idx %arg17[%parallel_loop3A_223], %parallel_loop3A_226 : memref<16384xf32, #tpu.memory_space<vmem>>[vector<16xi32>], vector<16xf32>,
        } {sc.loop_unroll_factor = 8 : i64, sc.parallel_access}
      } {sc.loop_unroll_factor = 1 : i64, sc.parallel_access}
      %get3A = arith.constant 0 : index
      %get3A_44 = tpu.vector_load %arg19[%get3A] {strides = array<i32>} : memref<128xf32, #tpu.memory_space<vmem>>, vector<16xf32>,
      %get3A_45 = arith.constant 16 : index
      %get3A_46 = tpu.vector_load %arg19[%get3A_45] {strides = array<i32>} : memref<128xf32, #tpu.memory_space<vmem>>, vector<16xf32>,
      %get3A_47 = arith.constant 32 : index
      %get3A_48 = tpu.vector_load %arg19[%get3A_47] {strides = array<i32>} : memref<128xf32, #tpu.memory_space<vmem>>, vector<16xf32>,
      %get3A_49 = arith.constant 48 : index
      %get3A_50 = tpu.vector_load %arg19[%get3A_49] {strides = array<i32>} : memref<128xf32, #tpu.memory_space<vmem>>, vector<16xf32>,
      %get3A_51 = arith.constant 64 : index
      %get3A_52 = tpu.vector_load %arg19[%get3A_51] {strides = array<i32>} : memref<128xf32, #tpu.memory_space<vmem>>, vector<16xf32>,
      %get3A_53 = arith.constant 80 : index
      %get3A_54 = tpu.vector_load %arg19[%get3A_53] {strides = array<i32>} : memref<128xf32, #tpu.memory_space<vmem>>, vector<16xf32>,
      %get3A_55 = arith.constant 96 : index
      %get3A_56 = tpu.vector_load %arg19[%get3A_55] {strides = array<i32>} : memref<128xf32, #tpu.memory_space<vmem>>, vector<16xf32>,
      %get3A_57 = arith.constant 112 : index
      %get3A_58 = tpu.vector_load %arg19[%get3A_57] {strides = array<i32>} : memref<128xf32, #tpu.memory_space<vmem>>, vector<16xf32>,
      %get3A_59 = arith.constant 0 : index
      %get3A_60 = tpu.vector_load %arg20[%get3A_59] {strides = array<i32>} : memref<128xf32, #tpu.memory_space<vmem>>, vector<16xf32>,
      %get3A_61 = arith.constant 16 : index
      %get3A_62 = tpu.vector_load %arg20[%get3A_61] {strides = array<i32>} : memref<128xf32, #tpu.memory_space<vmem>>, vector<16xf32>,
      %get3A_63 = arith.constant 32 : index
      %get3A_64 = tpu.vector_load %arg20[%get3A_63] {strides = array<i32>} : memref<128xf32, #tpu.memory_space<vmem>>, vector<16xf32>,
      %get3A_65 = arith.constant 48 : index
      %get3A_66 = tpu.vector_load %arg20[%get3A_65] {strides = array<i32>} : memref<128xf32, #tpu.memory_space<vmem>>, vector<16xf32>,
      %get3A_67 = arith.constant 64 : index
      %get3A_68 = tpu.vector_load %arg20[%get3A_67] {strides = array<i32>} : memref<128xf32, #tpu.memory_space<vmem>>, vector<16xf32>,
      %get3A_69 = arith.constant 80 : index
      %get3A_70 = tpu.vector_load %arg20[%get3A_69] {strides = array<i32>} : memref<128xf32, #tpu.memory_space<vmem>>, vector<16xf32>,
      %get3A_71 = arith.constant 96 : index
      %get3A_72 = tpu.vector_load %arg20[%get3A_71] {strides = array<i32>} : memref<128xf32, #tpu.memory_space<vmem>>, vector<16xf32>,
      %get3A_73 = arith.constant 112 : index
      %get3A_74 = tpu.vector_load %arg20[%get3A_73] {strides = array<i32>} : memref<128xf32, #tpu.memory_space<vmem>>, vector<16xf32>,
      %parallel_loop3A_75 = arith.constant 0 : i32
      %parallel_loop3A_76 = arith.constant 128 : i32
      %parallel_loop3A_77 = arith.constant 1 : i32
      scf.for %parallel_loop3A_152 = %parallel_loop3A_75 to %parallel_loop3A_76 step %parallel_loop3A_77  : i32 {
        %parallel_loop3A_153 = arith.constant 128 : i32
        %parallel_loop3A_154 = arith.muli %parallel_loop3A_152, %parallel_loop3A_153 : i32
        %parallel_loop3A_155 = arith.constant 0 : i32
        %parallel_loop3A_156 = arith.addi %parallel_loop3A_154, %parallel_loop3A_155 : i32
        %parallel_loop3A_157 = arith.index_cast %parallel_loop3A_156 : i32 to index
        %parallel_loop3A_158 = tpu.vector_load %arg17[%parallel_loop3A_157] {strides = array<i32>} : memref<16384xf32, #tpu.memory_space<vmem>>, vector<16xf32>,
        %parallel_loop3A_159 = arith.mulf %parallel_loop3A_158, %get3A_44 : vector<16xf32>
        %parallel_loop3A_160 = arith.addf %parallel_loop3A_159, %get3A_60 : vector<16xf32>
        %parallel_loop3A_161 = arith.index_cast %parallel_loop3A_156 : i32 to index
        %parallel_loop3A_162 = tpu.vector_load %arg17[%parallel_loop3A_161] {strides = array<i32>} : memref<16384xf32, #tpu.memory_space<vmem>>, vector<16xf32>,
        tpu.vector_store %arg17[%parallel_loop3A_161], %parallel_loop3A_160 {strides = array<i32>} : memref<16384xf32, #tpu.memory_space<vmem>>, vector<16xf32>,
        %parallel_loop3A_163 = arith.constant 16 : i32
        %parallel_loop3A_164 = arith.addi %parallel_loop3A_154, %parallel_loop3A_163 : i32
        %parallel_loop3A_165 = arith.index_cast %parallel_loop3A_164 : i32 to index
        %parallel_loop3A_166 = tpu.vector_load %arg17[%parallel_loop3A_165] {strides = array<i32>} : memref<16384xf32, #tpu.memory_space<vmem>>, vector<16xf32>,
        %parallel_loop3A_167 = arith.mulf %parallel_loop3A_166, %get3A_46 : vector<16xf32>
        %parallel_loop3A_168 = arith.addf %parallel_loop3A_167, %get3A_62 : vector<16xf32>
        %parallel_loop3A_169 = arith.index_cast %parallel_loop3A_164 : i32 to index
        %parallel_loop3A_170 = tpu.vector_load %arg17[%parallel_loop3A_169] {strides = array<i32>} : memref<16384xf32, #tpu.memory_space<vmem>>, vector<16xf32>,
        tpu.vector_store %arg17[%parallel_loop3A_169], %parallel_loop3A_168 {strides = array<i32>} : memref<16384xf32, #tpu.memory_space<vmem>>, vector<16xf32>,
        %parallel_loop3A_171 = arith.constant 32 : i32
        %parallel_loop3A_172 = arith.addi %parallel_loop3A_154, %parallel_loop3A_171 : i32
        %parallel_loop3A_173 = arith.index_cast %parallel_loop3A_172 : i32 to index
        %parallel_loop3A_174 = tpu.vector_load %arg17[%parallel_loop3A_173] {strides = array<i32>} : memref<16384xf32, #tpu.memory_space<vmem>>, vector<16xf32>,
        %parallel_loop3A_175 = arith.mulf %parallel_loop3A_174, %get3A_48 : vector<16xf32>
        %parallel_loop3A_176 = arith.addf %parallel_loop3A_175, %get3A_64 : vector<16xf32>
        %parallel_loop3A_177 = arith.index_cast %parallel_loop3A_172 : i32 to index
        %parallel_loop3A_178 = tpu.vector_load %arg17[%parallel_loop3A_177] {strides = array<i32>} : memref<16384xf32, #tpu.memory_space<vmem>>, vector<16xf32>,
        tpu.vector_store %arg17[%parallel_loop3A_177], %parallel_loop3A_176 {strides = array<i32>} : memref<16384xf32, #tpu.memory_space<vmem>>, vector<16xf32>,
        %parallel_loop3A_179 = arith.constant 48 : i32
        %parallel_loop3A_180 = arith.addi %parallel_loop3A_154, %parallel_loop3A_179 : i32
        %parallel_loop3A_181 = arith.index_cast %parallel_loop3A_180 : i32 to index
        %parallel_loop3A_182 = tpu.vector_load %arg17[%parallel_loop3A_181] {strides = array<i32>} : memref<16384xf32, #tpu.memory_space<vmem>>, vector<16xf32>,
        %parallel_loop3A_183 = arith.mulf %parallel_loop3A_182, %get3A_50 : vector<16xf32>
        %parallel_loop3A_184 = arith.addf %parallel_loop3A_183, %get3A_66 : vector<16xf32>
        %parallel_loop3A_185 = arith.index_cast %parallel_loop3A_180 : i32 to index
        %parallel_loop3A_186 = tpu.vector_load %arg17[%parallel_loop3A_185] {strides = array<i32>} : memref<16384xf32, #tpu.memory_space<vmem>>, vector<16xf32>,
        tpu.vector_store %arg17[%parallel_loop3A_185], %parallel_loop3A_184 {strides = array<i32>} : memref<16384xf32, #tpu.memory_space<vmem>>, vector<16xf32>,
        %parallel_loop3A_187 = arith.constant 64 : i32
        %parallel_loop3A_188 = arith.addi %parallel_loop3A_154, %parallel_loop3A_187 : i32
        %parallel_loop3A_189 = arith.index_cast %parallel_loop3A_188 : i32 to index
        %parallel_loop3A_190 = tpu.vector_load %arg17[%parallel_loop3A_189] {strides = array<i32>} : memref<16384xf32, #tpu.memory_space<vmem>>, vector<16xf32>,
        %parallel_loop3A_191 = arith.mulf %parallel_loop3A_190, %get3A_52 : vector<16xf32>
        %parallel_loop3A_192 = arith.addf %parallel_loop3A_191, %get3A_68 : vector<16xf32>
        %parallel_loop3A_193 = arith.index_cast %parallel_loop3A_188 : i32 to index
        %parallel_loop3A_194 = tpu.vector_load %arg17[%parallel_loop3A_193] {strides = array<i32>} : memref<16384xf32, #tpu.memory_space<vmem>>, vector<16xf32>,
        tpu.vector_store %arg17[%parallel_loop3A_193], %parallel_loop3A_192 {strides = array<i32>} : memref<16384xf32, #tpu.memory_space<vmem>>, vector<16xf32>,
        %parallel_loop3A_195 = arith.constant 80 : i32
        %parallel_loop3A_196 = arith.addi %parallel_loop3A_154, %parallel_loop3A_195 : i32
        %parallel_loop3A_197 = arith.index_cast %parallel_loop3A_196 : i32 to index
        %parallel_loop3A_198 = tpu.vector_load %arg17[%parallel_loop3A_197] {strides = array<i32>} : memref<16384xf32, #tpu.memory_space<vmem>>, vector<16xf32>,
        %parallel_loop3A_199 = arith.mulf %parallel_loop3A_198, %get3A_54 : vector<16xf32>
        %parallel_loop3A_200 = arith.addf %parallel_loop3A_199, %get3A_70 : vector<16xf32>
        %parallel_loop3A_201 = arith.index_cast %parallel_loop3A_196 : i32 to index
        %parallel_loop3A_202 = tpu.vector_load %arg17[%parallel_loop3A_201] {strides = array<i32>} : memref<16384xf32, #tpu.memory_space<vmem>>, vector<16xf32>,
        tpu.vector_store %arg17[%parallel_loop3A_201], %parallel_loop3A_200 {strides = array<i32>} : memref<16384xf32, #tpu.memory_space<vmem>>, vector<16xf32>,
        %parallel_loop3A_203 = arith.constant 96 : i32
        %parallel_loop3A_204 = arith.addi %parallel_loop3A_154, %parallel_loop3A_203 : i32
        %parallel_loop3A_205 = arith.index_cast %parallel_loop3A_204 : i32 to index
        %parallel_loop3A_206 = tpu.vector_load %arg17[%parallel_loop3A_205] {strides = array<i32>} : memref<16384xf32, #tpu.memory_space<vmem>>, vector<16xf32>,
        %parallel_loop3A_207 = arith.mulf %parallel_loop3A_206, %get3A_56 : vector<16xf32>
        %parallel_loop3A_208 = arith.addf %parallel_loop3A_207, %get3A_72 : vector<16xf32>
        %parallel_loop3A_209 = arith.index_cast %parallel_loop3A_204 : i32 to index
        %parallel_loop3A_210 = tpu.vector_load %arg17[%parallel_loop3A_209] {strides = array<i32>} : memref<16384xf32, #tpu.memory_space<vmem>>, vector<16xf32>,
        tpu.vector_store %arg17[%parallel_loop3A_209], %parallel_loop3A_208 {strides = array<i32>} : memref<16384xf32, #tpu.memory_space<vmem>>, vector<16xf32>,
        %parallel_loop3A_211 = arith.constant 112 : i32
        %parallel_loop3A_212 = arith.addi %parallel_loop3A_154, %parallel_loop3A_211 : i32
        %parallel_loop3A_213 = arith.index_cast %parallel_loop3A_212 : i32 to index
        %parallel_loop3A_214 = tpu.vector_load %arg17[%parallel_loop3A_213] {strides = array<i32>} : memref<16384xf32, #tpu.memory_space<vmem>>, vector<16xf32>,
        %parallel_loop3A_215 = arith.mulf %parallel_loop3A_214, %get3A_58 : vector<16xf32>
        %parallel_loop3A_216 = arith.addf %parallel_loop3A_215, %get3A_74 : vector<16xf32>
        %parallel_loop3A_217 = arith.index_cast %parallel_loop3A_212 : i32 to index
        %parallel_loop3A_218 = tpu.vector_load %arg17[%parallel_loop3A_217] {strides = array<i32>} : memref<16384xf32, #tpu.memory_space<vmem>>, vector<16xf32>,
        tpu.vector_store %arg17[%parallel_loop3A_217], %parallel_loop3A_216 {strides = array<i32>} : memref<16384xf32, #tpu.memory_space<vmem>>, vector<16xf32>,
      } {sc.loop_unroll_factor = 2 : i64, sc.parallel_access}
      %add3A_78 = arith.addi %mul3A_3, %mul3A_27 : i32
      %mul3A_79 = arith.constant 128 : i32
      %mul3A_80 = arith.muli %add3A_78, %mul3A_79 : i32
      %mul3A_81 = arith.constant 128 : i32
      %mul3A_82 = arith.muli %mul3A_80, %mul3A_81 : i32
      %dma_start3A_83 = tpu.memref_slice %arg8[%mul3A_82] : memref<26214400xf32, #tpu.memory_space<hbm>> -> memref<16384xf32, #tpu.memory_space<hbm>>
      %dma_start3A_84 = tpu.memref_slice %arg8[%mul3A_82] : memref<26214400xf32, #tpu.memory_space<hbm>> -> memref<16384xf32, #tpu.memory_space<hbm>>
      tpu.enqueue_dma source(%arg17 : memref<16384xf32, #tpu.memory_space<vmem>>) target(%dma_start3A_84 : memref<16384xf32, #tpu.memory_space<hbm>>) target_semaphore(%arg25 : memref<!tpu.dma_semaphore, #tpu.memory_space<semaphore_mem>>)
      %mul3A_85 = arith.constant 2 : i32
      %mul3A_86 = arith.muli %mul3A_85, %scan3A_25 : i32
      %add3A_87 = arith.constant 1 : i32
      %add3A_88 = arith.addi %mul3A_86, %add3A_87 : i32
      %dma_wait3A_89 = arith.constant 0 : i32
      %dma_wait3A_90 = arith.constant 0 : i32
      %dma_wait3A_91 = tpu.memref_slice %arg2[%dma_wait3A_89, %dma_wait3A_90] : memref<100000x128xf32, #tpu.memory_space<hbm>> -> memref<100000x128xf32, #tpu.memory_space<hbm>>
      tpu.wait_indirect_dma semaphore(%arg22 : memref<!tpu.dma_semaphore, #tpu.memory_space<semaphore_mem>>) src(%dma_wait3A_91 : memref<100000x128xf32, #tpu.memory_space<hbm>>) dst(%arg14 : memref<128x128xf32, #tpu.memory_space<vmem>>)
      %dma_wait3A_92 = arith.constant 0 : i32
      %dma_wait3A_93 = arith.constant 0 : i32
      %dma_wait3A_94 = tpu.memref_slice %arg3[%dma_wait3A_92, %dma_wait3A_93] : memref<400x128xf32, #tpu.memory_space<hbm>> -> memref<400x128xf32, #tpu.memory_space<hbm>>
      tpu.wait_indirect_dma semaphore(%arg24 : memref<!tpu.dma_semaphore, #tpu.memory_space<semaphore_mem>>) src(%dma_wait3A_94 : memref<400x128xf32, #tpu.memory_space<hbm>>) dst(%arg16 : memref<128x128xf32, #tpu.memory_space<vmem>>)
      %add3A_95 = arith.constant 1 : i32
      %add3A_96 = arith.addi %add3A_88, %add3A_95 : i32
      %lt3A_97 = arith.constant 50 : i32
      %lt3A_98 = arith.cmpi slt, %add3A_96, %lt3A_97 : i32
      %convert_element_type3A_99 = arith.extui %lt3A_98 : i1 to i32
      %cond3A_100 = arith.constant 0 : i32
      %cond3A_101 = arith.cmpi ne, %convert_element_type3A_99, %cond3A_100 : i32
      scf.if %cond3A_101 {
        %add3A_152 = arith.constant 1 : i32
        %add3A_153 = arith.addi %add3A_88, %add3A_152 : i32
        %add3A_154 = arith.addi %mul3A_3, %add3A_153 : i32
        %mul3A_155 = arith.constant 128 : i32
        %mul3A_156 = arith.muli %add3A_154, %mul3A_155 : i32
        "tpu.region"() ({
          %run_scoped3A = tpu.sem_alloc : memref<!tpu.dma_semaphore, #tpu.memory_space<semaphore_mem>>
          %dma_start3A_163 = tpu.memref_slice %arg4[%mul3A_156] : memref<204800xi32, #tpu.memory_space<hbm>> -> memref<128xi32, #tpu.memory_space<hbm>>
          %dma_start3A_164 = tpu.memref_slice %arg4[%mul3A_156] : memref<204800xi32, #tpu.memory_space<hbm>> -> memref<128xi32, #tpu.memory_space<hbm>>
          tpu.enqueue_dma source(%dma_start3A_164 : memref<128xi32, #tpu.memory_space<hbm>>) target(%arg9 : memref<128xi32, #tpu.memory_space<vmem>>) target_semaphore(%run_scoped3A : memref<!tpu.dma_semaphore, #tpu.memory_space<semaphore_mem>>)
          %dma_wait3A_165 = tpu.memref_slice %arg4[%mul3A_156] : memref<204800xi32, #tpu.memory_space<hbm>> -> memref<128xi32, #tpu.memory_space<hbm>>
          %dma_wait3A_166 = tpu.memref_slice %arg4[%mul3A_156] : memref<204800xi32, #tpu.memory_space<hbm>> -> memref<128xi32, #tpu.memory_space<hbm>>
          tpu.wait_dma2 semaphore(%run_scoped3A : memref<!tpu.dma_semaphore, #tpu.memory_space<semaphore_mem>>) src(%dma_wait3A_166 : memref<128xi32, #tpu.memory_space<hbm>>) dst(%arg9 : memref<128xi32, #tpu.memory_space<vmem>>)
          tpu.yield
        }) : () -> ()
        "tpu.region"() ({
          %run_scoped3A = tpu.sem_alloc : memref<!tpu.dma_semaphore, #tpu.memory_space<semaphore_mem>>
          %dma_start3A_163 = tpu.memref_slice %arg5[%mul3A_156] : memref<204800xi32, #tpu.memory_space<hbm>> -> memref<128xi32, #tpu.memory_space<hbm>>
          %dma_start3A_164 = tpu.memref_slice %arg5[%mul3A_156] : memref<204800xi32, #tpu.memory_space<hbm>> -> memref<128xi32, #tpu.memory_space<hbm>>
          tpu.enqueue_dma source(%dma_start3A_164 : memref<128xi32, #tpu.memory_space<hbm>>) target(%arg11 : memref<128xi32, #tpu.memory_space<vmem>>) target_semaphore(%run_scoped3A : memref<!tpu.dma_semaphore, #tpu.memory_space<semaphore_mem>>)
          %dma_wait3A_165 = tpu.memref_slice %arg5[%mul3A_156] : memref<204800xi32, #tpu.memory_space<hbm>> -> memref<128xi32, #tpu.memory_space<hbm>>
          %dma_wait3A_166 = tpu.memref_slice %arg5[%mul3A_156] : memref<204800xi32, #tpu.memory_space<hbm>> -> memref<128xi32, #tpu.memory_space<hbm>>
          tpu.wait_dma2 semaphore(%run_scoped3A : memref<!tpu.dma_semaphore, #tpu.memory_space<semaphore_mem>>) src(%dma_wait3A_166 : memref<128xi32, #tpu.memory_space<hbm>>) dst(%arg11 : memref<128xi32, #tpu.memory_space<vmem>>)
          tpu.yield
        }) : () -> ()
        %dma_start3A_157 = arith.constant 0 : i32
        %dma_start3A_158 = arith.constant 0 : i32
        %dma_start3A_159 = tpu.memref_slice %arg2[%dma_start3A_157, %dma_start3A_158] : memref<100000x128xf32, #tpu.memory_space<hbm>> -> memref<100000x128xf32, #tpu.memory_space<hbm>>
        tpu.enqueue_indirect_dma source(%dma_start3A_159 : memref<100000x128xf32, #tpu.memory_space<hbm>>) target(%arg13 : memref<128x128xf32, #tpu.memory_space<vmem>>) offsets(%arg9 : memref<128xi32, #tpu.memory_space<vmem>>) semaphore(%arg21 : memref<!tpu.dma_semaphore, #tpu.memory_space<semaphore_mem>>)
        %dma_start3A_160 = arith.constant 0 : i32
        %dma_start3A_161 = arith.constant 0 : i32
        %dma_start3A_162 = tpu.memref_slice %arg3[%dma_start3A_160, %dma_start3A_161] : memref<400x128xf32, #tpu.memory_space<hbm>> -> memref<400x128xf32, #tpu.memory_space<hbm>>
        tpu.enqueue_indirect_dma source(%dma_start3A_162 : memref<400x128xf32, #tpu.memory_space<hbm>>) target(%arg15 : memref<128x128xf32, #tpu.memory_space<vmem>>) offsets(%arg11 : memref<128xi32, #tpu.memory_space<vmem>>) semaphore(%arg23 : memref<!tpu.dma_semaphore, #tpu.memory_space<semaphore_mem>>)
      } else {
      }
      %ge3A_102 = arith.constant 1 : i32
      %ge3A_103 = arith.cmpi sge, %scan3A_25, %ge3A_102 : i32
      %convert_element_type3A_104 = arith.extui %ge3A_103 : i1 to i32
      %cond3A_105 = arith.constant 0 : i32
      %cond3A_106 = arith.cmpi ne, %convert_element_type3A_104, %cond3A_105 : i32
      scf.if %cond3A_106 {
        %dma_wait3A_152 = arith.constant 0 : i32
        %dma_wait3A_153 = tpu.memref_slice %arg8[%dma_wait3A_152] : memref<26214400xf32, #tpu.memory_space<hbm>> -> memref<16384xf32, #tpu.memory_space<hbm>>
        %dma_wait3A_154 = arith.constant 0 : i32
        %dma_wait3A_155 = tpu.memref_slice %arg8[%dma_wait3A_154] : memref<26214400xf32, #tpu.memory_space<hbm>> -> memref<16384xf32, #tpu.memory_space<hbm>>
        tpu.wait_dma2 semaphore(%arg26 : memref<!tpu.dma_semaphore, #tpu.memory_space<semaphore_mem>>) src(%arg18 : memref<16384xf32, #tpu.memory_space<vmem>>) dst(%dma_wait3A_155 : memref<16384xf32, #tpu.memory_space<hbm>>)
      } else {
      }
      %parallel_loop3A_107 = arith.constant 0 : i32
      %parallel_loop3A_108 = arith.constant 8 : i32
      %parallel_loop3A_109 = arith.constant 1 : i32
      scf.for %parallel_loop3A_152 = %parallel_loop3A_107 to %parallel_loop3A_108 step %parallel_loop3A_109  : i32 {
        %parallel_loop3A_153 = arith.constant 16 : i32
        %parallel_loop3A_154 = arith.muli %parallel_loop3A_152, %parallel_loop3A_153 : i32
        %parallel_loop3A_155 = vector.broadcast %parallel_loop3A_154 : i32 to vector<16xi32>
        %parallel_loop3A_156 = arith.addi %parallel_loop3A_155, %iota3A : vector<16xi32>
        %parallel_loop3A_157 = arith.constant 128 : i32
        %parallel_loop3A_158 = vector.broadcast %parallel_loop3A_157 : i32 to vector<16xi32>
        %parallel_loop3A_159 = arith.muli %parallel_loop3A_156, %parallel_loop3A_158 : vector<16xi32>
        %parallel_loop3A_160 = arith.constant 0.000000e+00 : f32
        %parallel_loop3A_161 = vector.broadcast %parallel_loop3A_160 : f32 to vector<16xf32>
        %parallel_loop3A_162 = arith.constant 0 : i32
        %parallel_loop3A_163 = arith.constant 128 : i32
        %parallel_loop3A_164 = arith.constant 2 : i32
        %parallel_loop3A_165:4 = scf.for %parallel_loop3A_217 = %parallel_loop3A_162 to %parallel_loop3A_163 step %parallel_loop3A_164 iter_args(%parallel_loop3A_218 = %parallel_loop3A_161, %parallel_loop3A_219 = %parallel_loop3A_161, %parallel_loop3A_220 = %parallel_loop3A_161, %parallel_loop3A_221 = %parallel_loop3A_161) -> (vector<16xf32>, vector<16xf32>, vector<16xf32>, vector<16xf32>)  : i32 {
          %parallel_loop3A_222 = vector.broadcast %parallel_loop3A_217 : i32 to vector<16xi32>
          %parallel_loop3A_223 = arith.addi %iota3A, %parallel_loop3A_222 : vector<16xi32>
          %parallel_loop3A_224 = arith.constant 127 : i32
          %parallel_loop3A_225 = vector.broadcast %parallel_loop3A_224 : i32 to vector<16xi32>
          %parallel_loop3A_226 = arith.andi %parallel_loop3A_223, %parallel_loop3A_225 : vector<16xi32>
          %parallel_loop3A_227 = arith.constant 1 : i32
          %parallel_loop3A_228 = vector.broadcast %parallel_loop3A_227 : i32 to vector<16xi32>
          %parallel_loop3A_229 = arith.addi %parallel_loop3A_226, %parallel_loop3A_228 : vector<16xi32>
          %parallel_loop3A_230 = arith.constant 127 : i32
          %parallel_loop3A_231 = vector.broadcast %parallel_loop3A_230 : i32 to vector<16xi32>
          %parallel_loop3A_232 = arith.andi %parallel_loop3A_229, %parallel_loop3A_231 : vector<16xi32>
          %parallel_loop3A_233 = arith.addi %parallel_loop3A_159, %parallel_loop3A_226 : vector<16xi32>
          %parallel_loop3A_234 = arith.addi %parallel_loop3A_159, %parallel_loop3A_232 : vector<16xi32>
          %parallel_loop3A_235 = tpu.vector_load_idx %arg14[%parallel_loop3A_156, %parallel_loop3A_226] : memref<128x128xf32, #tpu.memory_space<vmem>>[vector<16xi32>, vector<16xi32>], vector<16xf32>,
          %parallel_loop3A_236 = tpu.vector_load_idx %arg16[%parallel_loop3A_156, %parallel_loop3A_226] : memref<128x128xf32, #tpu.memory_space<vmem>>[vector<16xi32>, vector<16xi32>], vector<16xf32>,
          %parallel_loop3A_237 = tpu.vector_load_idx %arg14[%parallel_loop3A_156, %parallel_loop3A_232] : memref<128x128xf32, #tpu.memory_space<vmem>>[vector<16xi32>, vector<16xi32>], vector<16xf32>,
          %parallel_loop3A_238 = tpu.vector_load_idx %arg16[%parallel_loop3A_156, %parallel_loop3A_232] : memref<128x128xf32, #tpu.memory_space<vmem>>[vector<16xi32>, vector<16xi32>], vector<16xf32>,
          %parallel_loop3A_239 = arith.addf %parallel_loop3A_235, %parallel_loop3A_236 : vector<16xf32>
          %parallel_loop3A_240 = arith.addf %parallel_loop3A_237, %parallel_loop3A_238 : vector<16xf32>
          tpu.vector_store_idx %arg18[%parallel_loop3A_233], %parallel_loop3A_239 : memref<16384xf32, #tpu.memory_space<vmem>>[vector<16xi32>], vector<16xf32>,
          tpu.vector_store_idx %arg18[%parallel_loop3A_234], %parallel_loop3A_240 : memref<16384xf32, #tpu.memory_space<vmem>>[vector<16xi32>], vector<16xf32>,
          %parallel_loop3A_241 = arith.addf %parallel_loop3A_218, %parallel_loop3A_239 : vector<16xf32>
          %parallel_loop3A_242 = arith.addf %parallel_loop3A_219, %parallel_loop3A_240 : vector<16xf32>
          %parallel_loop3A_243 = arith.mulf %parallel_loop3A_239, %parallel_loop3A_239 : vector<16xf32>
          %parallel_loop3A_244 = arith.addf %parallel_loop3A_220, %parallel_loop3A_243 : vector<16xf32>
          %parallel_loop3A_245 = arith.mulf %parallel_loop3A_240, %parallel_loop3A_240 : vector<16xf32>
          %parallel_loop3A_246 = arith.addf %parallel_loop3A_221, %parallel_loop3A_245 : vector<16xf32>
          scf.yield %parallel_loop3A_241, %parallel_loop3A_242, %parallel_loop3A_244, %parallel_loop3A_246 : vector<16xf32>, vector<16xf32>, vector<16xf32>, vector<16xf32>
        } {sc.loop_unroll_factor = 4 : i64, sc.parallel_access}
        %parallel_loop3A_166 = arith.addf %parallel_loop3A_165#0, %parallel_loop3A_165#1 : vector<16xf32>
        %parallel_loop3A_167 = arith.constant 7.812500e-03 : f32
        %parallel_loop3A_168 = vector.broadcast %parallel_loop3A_167 : f32 to vector<16xf32>
        %parallel_loop3A_169 = arith.mulf %parallel_loop3A_166, %parallel_loop3A_168 : vector<16xf32>
        %parallel_loop3A_170 = arith.addf %parallel_loop3A_165#2, %parallel_loop3A_165#3 : vector<16xf32>
        %parallel_loop3A_171 = arith.constant 7.812500e-03 : f32
        %parallel_loop3A_172 = vector.broadcast %parallel_loop3A_171 : f32 to vector<16xf32>
        %parallel_loop3A_173 = arith.mulf %parallel_loop3A_170, %parallel_loop3A_172 : vector<16xf32>
        %parallel_loop3A_174 = arith.mulf %parallel_loop3A_169, %parallel_loop3A_169 : vector<16xf32>
        %parallel_loop3A_175 = arith.subf %parallel_loop3A_173, %parallel_loop3A_174 : vector<16xf32>
        %parallel_loop3A_176 = arith.constant 9.99999974E-6 : f32
        %parallel_loop3A_177 = vector.broadcast %parallel_loop3A_176 : f32 to vector<16xf32>
        %parallel_loop3A_178 = arith.addf %parallel_loop3A_175, %parallel_loop3A_177 : vector<16xf32>
        %parallel_loop3A_179 = vector.bitcast %parallel_loop3A_178 : vector<16xf32> to vector<16xi32>
        %parallel_loop3A_180 = arith.constant 1 : i32
        %parallel_loop3A_181 = vector.broadcast %parallel_loop3A_180 : i32 to vector<16xi32>
        %parallel_loop3A_182 = arith.shrsi %parallel_loop3A_179, %parallel_loop3A_181 : vector<16xi32>
        %parallel_loop3A_183 = arith.constant 1597463007 : i32
        %parallel_loop3A_184 = vector.broadcast %parallel_loop3A_183 : i32 to vector<16xi32>
        %parallel_loop3A_185 = arith.subi %parallel_loop3A_184, %parallel_loop3A_182 : vector<16xi32>
        %parallel_loop3A_186 = vector.bitcast %parallel_loop3A_185 : vector<16xi32> to vector<16xf32>
        %parallel_loop3A_187 = arith.constant 5.000000e-01 : f32
        %parallel_loop3A_188 = vector.broadcast %parallel_loop3A_187 : f32 to vector<16xf32>
        %parallel_loop3A_189 = arith.mulf %parallel_loop3A_188, %parallel_loop3A_178 : vector<16xf32>
        %parallel_loop3A_190 = arith.mulf %parallel_loop3A_189, %parallel_loop3A_186 : vector<16xf32>
        %parallel_loop3A_191 = arith.mulf %parallel_loop3A_190, %parallel_loop3A_186 : vector<16xf32>
        %parallel_loop3A_192 = arith.constant 1.500000e+00 : f32
        %parallel_loop3A_193 = vector.broadcast %parallel_loop3A_192 : f32 to vector<16xf32>
        %parallel_loop3A_194 = arith.subf %parallel_loop3A_193, %parallel_loop3A_191 : vector<16xf32>
        %parallel_loop3A_195 = arith.mulf %parallel_loop3A_186, %parallel_loop3A_194 : vector<16xf32>
        %parallel_loop3A_196 = arith.constant 5.000000e-01 : f32
        %parallel_loop3A_197 = vector.broadcast %parallel_loop3A_196 : f32 to vector<16xf32>
        %parallel_loop3A_198 = arith.mulf %parallel_loop3A_197, %parallel_loop3A_178 : vector<16xf32>
        %parallel_loop3A_199 = arith.mulf %parallel_loop3A_198, %parallel_loop3A_195 : vector<16xf32>
        %parallel_loop3A_200 = arith.mulf %parallel_loop3A_199, %parallel_loop3A_195 : vector<16xf32>
        %parallel_loop3A_201 = arith.constant 1.500000e+00 : f32
        %parallel_loop3A_202 = vector.broadcast %parallel_loop3A_201 : f32 to vector<16xf32>
        %parallel_loop3A_203 = arith.subf %parallel_loop3A_202, %parallel_loop3A_200 : vector<16xf32>
        %parallel_loop3A_204 = arith.mulf %parallel_loop3A_195, %parallel_loop3A_203 : vector<16xf32>
        %parallel_loop3A_205 = arith.constant 5.000000e-01 : f32
        %parallel_loop3A_206 = vector.broadcast %parallel_loop3A_205 : f32 to vector<16xf32>
        %parallel_loop3A_207 = arith.mulf %parallel_loop3A_206, %parallel_loop3A_178 : vector<16xf32>
        %parallel_loop3A_208 = arith.mulf %parallel_loop3A_207, %parallel_loop3A_204 : vector<16xf32>
        %parallel_loop3A_209 = arith.mulf %parallel_loop3A_208, %parallel_loop3A_204 : vector<16xf32>
        %parallel_loop3A_210 = arith.constant 1.500000e+00 : f32
        %parallel_loop3A_211 = vector.broadcast %parallel_loop3A_210 : f32 to vector<16xf32>
        %parallel_loop3A_212 = arith.subf %parallel_loop3A_211, %parallel_loop3A_209 : vector<16xf32>
        %parallel_loop3A_213 = arith.mulf %parallel_loop3A_204, %parallel_loop3A_212 : vector<16xf32>
        %parallel_loop3A_214 = arith.constant 0 : i32
        %parallel_loop3A_215 = arith.constant 128 : i32
        %parallel_loop3A_216 = arith.constant 1 : i32
        scf.for %parallel_loop3A_217 = %parallel_loop3A_214 to %parallel_loop3A_215 step %parallel_loop3A_216  : i32 {
          %parallel_loop3A_218 = vector.broadcast %parallel_loop3A_217 : i32 to vector<16xi32>
          %parallel_loop3A_219 = arith.addi %iota3A, %parallel_loop3A_218 : vector<16xi32>
          %parallel_loop3A_220 = arith.constant 127 : i32
          %parallel_loop3A_221 = vector.broadcast %parallel_loop3A_220 : i32 to vector<16xi32>
          %parallel_loop3A_222 = arith.andi %parallel_loop3A_219, %parallel_loop3A_221 : vector<16xi32>
          %parallel_loop3A_223 = arith.addi %parallel_loop3A_159, %parallel_loop3A_222 : vector<16xi32>
          %parallel_loop3A_224 = tpu.vector_load_idx %arg18[%parallel_loop3A_223] : memref<16384xf32, #tpu.memory_space<vmem>>[vector<16xi32>], vector<16xf32>,
          %parallel_loop3A_225 = arith.subf %parallel_loop3A_224, %parallel_loop3A_169 : vector<16xf32>
          %parallel_loop3A_226 = arith.mulf %parallel_loop3A_225, %parallel_loop3A_213 : vector<16xf32>
          tpu.vector_store_idx %arg18[%parallel_loop3A_223], %parallel_loop3A_226 : memref<16384xf32, #tpu.memory_space<vmem>>[vector<16xi32>], vector<16xf32>,
        } {sc.loop_unroll_factor = 8 : i64, sc.parallel_access}
      } {sc.loop_unroll_factor = 1 : i64, sc.parallel_access}
      %get3A_110 = arith.constant 0 : index
      %get3A_111 = tpu.vector_load %arg19[%get3A_110] {strides = array<i32>} : memref<128xf32, #tpu.memory_space<vmem>>, vector<16xf32>,
      %get3A_112 = arith.constant 16 : index
      %get3A_113 = tpu.vector_load %arg19[%get3A_112] {strides = array<i32>} : memref<128xf32, #tpu.memory_space<vmem>>, vector<16xf32>,
      %get3A_114 = arith.constant 32 : index
      %get3A_115 = tpu.vector_load %arg19[%get3A_114] {strides = array<i32>} : memref<128xf32, #tpu.memory_space<vmem>>, vector<16xf32>,
      %get3A_116 = arith.constant 48 : index
      %get3A_117 = tpu.vector_load %arg19[%get3A_116] {strides = array<i32>} : memref<128xf32, #tpu.memory_space<vmem>>, vector<16xf32>,
      %get3A_118 = arith.constant 64 : index
      %get3A_119 = tpu.vector_load %arg19[%get3A_118] {strides = array<i32>} : memref<128xf32, #tpu.memory_space<vmem>>, vector<16xf32>,
      %get3A_120 = arith.constant 80 : index
      %get3A_121 = tpu.vector_load %arg19[%get3A_120] {strides = array<i32>} : memref<128xf32, #tpu.memory_space<vmem>>, vector<16xf32>,
      %get3A_122 = arith.constant 96 : index
      %get3A_123 = tpu.vector_load %arg19[%get3A_122] {strides = array<i32>} : memref<128xf32, #tpu.memory_space<vmem>>, vector<16xf32>,
      %get3A_124 = arith.constant 112 : index
      %get3A_125 = tpu.vector_load %arg19[%get3A_124] {strides = array<i32>} : memref<128xf32, #tpu.memory_space<vmem>>, vector<16xf32>,
      %get3A_126 = arith.constant 0 : index
      %get3A_127 = tpu.vector_load %arg20[%get3A_126] {strides = array<i32>} : memref<128xf32, #tpu.memory_space<vmem>>, vector<16xf32>,
      %get3A_128 = arith.constant 16 : index
      %get3A_129 = tpu.vector_load %arg20[%get3A_128] {strides = array<i32>} : memref<128xf32, #tpu.memory_space<vmem>>, vector<16xf32>,
      %get3A_130 = arith.constant 32 : index
      %get3A_131 = tpu.vector_load %arg20[%get3A_130] {strides = array<i32>} : memref<128xf32, #tpu.memory_space<vmem>>, vector<16xf32>,
      %get3A_132 = arith.constant 48 : index
      %get3A_133 = tpu.vector_load %arg20[%get3A_132] {strides = array<i32>} : memref<128xf32, #tpu.memory_space<vmem>>, vector<16xf32>,
      %get3A_134 = arith.constant 64 : index
      %get3A_135 = tpu.vector_load %arg20[%get3A_134] {strides = array<i32>} : memref<128xf32, #tpu.memory_space<vmem>>, vector<16xf32>,
      %get3A_136 = arith.constant 80 : index
      %get3A_137 = tpu.vector_load %arg20[%get3A_136] {strides = array<i32>} : memref<128xf32, #tpu.memory_space<vmem>>, vector<16xf32>,
      %get3A_138 = arith.constant 96 : index
      %get3A_139 = tpu.vector_load %arg20[%get3A_138] {strides = array<i32>} : memref<128xf32, #tpu.memory_space<vmem>>, vector<16xf32>,
      %get3A_140 = arith.constant 112 : index
      %get3A_141 = tpu.vector_load %arg20[%get3A_140] {strides = array<i32>} : memref<128xf32, #tpu.memory_space<vmem>>, vector<16xf32>,
      %parallel_loop3A_142 = arith.constant 0 : i32
      %parallel_loop3A_143 = arith.constant 128 : i32
      %parallel_loop3A_144 = arith.constant 1 : i32
      scf.for %parallel_loop3A_152 = %parallel_loop3A_142 to %parallel_loop3A_143 step %parallel_loop3A_144  : i32 {
        %parallel_loop3A_153 = arith.constant 128 : i32
        %parallel_loop3A_154 = arith.muli %parallel_loop3A_152, %parallel_loop3A_153 : i32
        %parallel_loop3A_155 = arith.constant 0 : i32
        %parallel_loop3A_156 = arith.addi %parallel_loop3A_154, %parallel_loop3A_155 : i32
        %parallel_loop3A_157 = arith.index_cast %parallel_loop3A_156 : i32 to index
        %parallel_loop3A_158 = tpu.vector_load %arg18[%parallel_loop3A_157] {strides = array<i32>} : memref<16384xf32, #tpu.memory_space<vmem>>, vector<16xf32>,
        %parallel_loop3A_159 = arith.mulf %parallel_loop3A_158, %get3A_111 : vector<16xf32>
        %parallel_loop3A_160 = arith.addf %parallel_loop3A_159, %get3A_127 : vector<16xf32>
        %parallel_loop3A_161 = arith.index_cast %parallel_loop3A_156 : i32 to index
        %parallel_loop3A_162 = tpu.vector_load %arg18[%parallel_loop3A_161] {strides = array<i32>} : memref<16384xf32, #tpu.memory_space<vmem>>, vector<16xf32>,
        tpu.vector_store %arg18[%parallel_loop3A_161], %parallel_loop3A_160 {strides = array<i32>} : memref<16384xf32, #tpu.memory_space<vmem>>, vector<16xf32>,
        %parallel_loop3A_163 = arith.constant 16 : i32
        %parallel_loop3A_164 = arith.addi %parallel_loop3A_154, %parallel_loop3A_163 : i32
        %parallel_loop3A_165 = arith.index_cast %parallel_loop3A_164 : i32 to index
        %parallel_loop3A_166 = tpu.vector_load %arg18[%parallel_loop3A_165] {strides = array<i32>} : memref<16384xf32, #tpu.memory_space<vmem>>, vector<16xf32>,
        %parallel_loop3A_167 = arith.mulf %parallel_loop3A_166, %get3A_113 : vector<16xf32>
        %parallel_loop3A_168 = arith.addf %parallel_loop3A_167, %get3A_129 : vector<16xf32>
        %parallel_loop3A_169 = arith.index_cast %parallel_loop3A_164 : i32 to index
        %parallel_loop3A_170 = tpu.vector_load %arg18[%parallel_loop3A_169] {strides = array<i32>} : memref<16384xf32, #tpu.memory_space<vmem>>, vector<16xf32>,
        tpu.vector_store %arg18[%parallel_loop3A_169], %parallel_loop3A_168 {strides = array<i32>} : memref<16384xf32, #tpu.memory_space<vmem>>, vector<16xf32>,
        %parallel_loop3A_171 = arith.constant 32 : i32
        %parallel_loop3A_172 = arith.addi %parallel_loop3A_154, %parallel_loop3A_171 : i32
        %parallel_loop3A_173 = arith.index_cast %parallel_loop3A_172 : i32 to index
        %parallel_loop3A_174 = tpu.vector_load %arg18[%parallel_loop3A_173] {strides = array<i32>} : memref<16384xf32, #tpu.memory_space<vmem>>, vector<16xf32>,
        %parallel_loop3A_175 = arith.mulf %parallel_loop3A_174, %get3A_115 : vector<16xf32>
        %parallel_loop3A_176 = arith.addf %parallel_loop3A_175, %get3A_131 : vector<16xf32>
        %parallel_loop3A_177 = arith.index_cast %parallel_loop3A_172 : i32 to index
        %parallel_loop3A_178 = tpu.vector_load %arg18[%parallel_loop3A_177] {strides = array<i32>} : memref<16384xf32, #tpu.memory_space<vmem>>, vector<16xf32>,
        tpu.vector_store %arg18[%parallel_loop3A_177], %parallel_loop3A_176 {strides = array<i32>} : memref<16384xf32, #tpu.memory_space<vmem>>, vector<16xf32>,
        %parallel_loop3A_179 = arith.constant 48 : i32
        %parallel_loop3A_180 = arith.addi %parallel_loop3A_154, %parallel_loop3A_179 : i32
        %parallel_loop3A_181 = arith.index_cast %parallel_loop3A_180 : i32 to index
        %parallel_loop3A_182 = tpu.vector_load %arg18[%parallel_loop3A_181] {strides = array<i32>} : memref<16384xf32, #tpu.memory_space<vmem>>, vector<16xf32>,
        %parallel_loop3A_183 = arith.mulf %parallel_loop3A_182, %get3A_117 : vector<16xf32>
        %parallel_loop3A_184 = arith.addf %parallel_loop3A_183, %get3A_133 : vector<16xf32>
        %parallel_loop3A_185 = arith.index_cast %parallel_loop3A_180 : i32 to index
        %parallel_loop3A_186 = tpu.vector_load %arg18[%parallel_loop3A_185] {strides = array<i32>} : memref<16384xf32, #tpu.memory_space<vmem>>, vector<16xf32>,
        tpu.vector_store %arg18[%parallel_loop3A_185], %parallel_loop3A_184 {strides = array<i32>} : memref<16384xf32, #tpu.memory_space<vmem>>, vector<16xf32>,
        %parallel_loop3A_187 = arith.constant 64 : i32
        %parallel_loop3A_188 = arith.addi %parallel_loop3A_154, %parallel_loop3A_187 : i32
        %parallel_loop3A_189 = arith.index_cast %parallel_loop3A_188 : i32 to index
        %parallel_loop3A_190 = tpu.vector_load %arg18[%parallel_loop3A_189] {strides = array<i32>} : memref<16384xf32, #tpu.memory_space<vmem>>, vector<16xf32>,
        %parallel_loop3A_191 = arith.mulf %parallel_loop3A_190, %get3A_119 : vector<16xf32>
        %parallel_loop3A_192 = arith.addf %parallel_loop3A_191, %get3A_135 : vector<16xf32>
        %parallel_loop3A_193 = arith.index_cast %parallel_loop3A_188 : i32 to index
        %parallel_loop3A_194 = tpu.vector_load %arg18[%parallel_loop3A_193] {strides = array<i32>} : memref<16384xf32, #tpu.memory_space<vmem>>, vector<16xf32>,
        tpu.vector_store %arg18[%parallel_loop3A_193], %parallel_loop3A_192 {strides = array<i32>} : memref<16384xf32, #tpu.memory_space<vmem>>, vector<16xf32>,
        %parallel_loop3A_195 = arith.constant 80 : i32
        %parallel_loop3A_196 = arith.addi %parallel_loop3A_154, %parallel_loop3A_195 : i32
        %parallel_loop3A_197 = arith.index_cast %parallel_loop3A_196 : i32 to index
        %parallel_loop3A_198 = tpu.vector_load %arg18[%parallel_loop3A_197] {strides = array<i32>} : memref<16384xf32, #tpu.memory_space<vmem>>, vector<16xf32>,
        %parallel_loop3A_199 = arith.mulf %parallel_loop3A_198, %get3A_121 : vector<16xf32>
        %parallel_loop3A_200 = arith.addf %parallel_loop3A_199, %get3A_137 : vector<16xf32>
        %parallel_loop3A_201 = arith.index_cast %parallel_loop3A_196 : i32 to index
        %parallel_loop3A_202 = tpu.vector_load %arg18[%parallel_loop3A_201] {strides = array<i32>} : memref<16384xf32, #tpu.memory_space<vmem>>, vector<16xf32>,
        tpu.vector_store %arg18[%parallel_loop3A_201], %parallel_loop3A_200 {strides = array<i32>} : memref<16384xf32, #tpu.memory_space<vmem>>, vector<16xf32>,
        %parallel_loop3A_203 = arith.constant 96 : i32
        %parallel_loop3A_204 = arith.addi %parallel_loop3A_154, %parallel_loop3A_203 : i32
        %parallel_loop3A_205 = arith.index_cast %parallel_loop3A_204 : i32 to index
        %parallel_loop3A_206 = tpu.vector_load %arg18[%parallel_loop3A_205] {strides = array<i32>} : memref<16384xf32, #tpu.memory_space<vmem>>, vector<16xf32>,
        %parallel_loop3A_207 = arith.mulf %parallel_loop3A_206, %get3A_123 : vector<16xf32>
        %parallel_loop3A_208 = arith.addf %parallel_loop3A_207, %get3A_139 : vector<16xf32>
        %parallel_loop3A_209 = arith.index_cast %parallel_loop3A_204 : i32 to index
        %parallel_loop3A_210 = tpu.vector_load %arg18[%parallel_loop3A_209] {strides = array<i32>} : memref<16384xf32, #tpu.memory_space<vmem>>, vector<16xf32>,
        tpu.vector_store %arg18[%parallel_loop3A_209], %parallel_loop3A_208 {strides = array<i32>} : memref<16384xf32, #tpu.memory_space<vmem>>, vector<16xf32>,
        %parallel_loop3A_211 = arith.constant 112 : i32
        %parallel_loop3A_212 = arith.addi %parallel_loop3A_154, %parallel_loop3A_211 : i32
        %parallel_loop3A_213 = arith.index_cast %parallel_loop3A_212 : i32 to index
        %parallel_loop3A_214 = tpu.vector_load %arg18[%parallel_loop3A_213] {strides = array<i32>} : memref<16384xf32, #tpu.memory_space<vmem>>, vector<16xf32>,
        %parallel_loop3A_215 = arith.mulf %parallel_loop3A_214, %get3A_125 : vector<16xf32>
        %parallel_loop3A_216 = arith.addf %parallel_loop3A_215, %get3A_141 : vector<16xf32>
        %parallel_loop3A_217 = arith.index_cast %parallel_loop3A_212 : i32 to index
        %parallel_loop3A_218 = tpu.vector_load %arg18[%parallel_loop3A_217] {strides = array<i32>} : memref<16384xf32, #tpu.memory_space<vmem>>, vector<16xf32>,
        tpu.vector_store %arg18[%parallel_loop3A_217], %parallel_loop3A_216 {strides = array<i32>} : memref<16384xf32, #tpu.memory_space<vmem>>, vector<16xf32>,
      } {sc.loop_unroll_factor = 2 : i64, sc.parallel_access}
      %add3A_145 = arith.addi %mul3A_3, %add3A_88 : i32
      %mul3A_146 = arith.constant 128 : i32
      %mul3A_147 = arith.muli %add3A_145, %mul3A_146 : i32
      %mul3A_148 = arith.constant 128 : i32
      %mul3A_149 = arith.muli %mul3A_147, %mul3A_148 : i32
      %dma_start3A_150 = tpu.memref_slice %arg8[%mul3A_149] : memref<26214400xf32, #tpu.memory_space<hbm>> -> memref<16384xf32, #tpu.memory_space<hbm>>
      %dma_start3A_151 = tpu.memref_slice %arg8[%mul3A_149] : memref<26214400xf32, #tpu.memory_space<hbm>> -> memref<16384xf32, #tpu.memory_space<hbm>>
      tpu.enqueue_dma source(%arg18 : memref<16384xf32, #tpu.memory_space<vmem>>) target(%dma_start3A_151 : memref<16384xf32, #tpu.memory_space<hbm>>) target_semaphore(%arg26 : memref<!tpu.dma_semaphore, #tpu.memory_space<semaphore_mem>>)
    }
    %scan3A_17 = arith.constant 25 : i32
    %dma_wait3A = arith.constant 0 : i32
    %dma_wait3A_18 = tpu.memref_slice %arg8[%dma_wait3A] : memref<26214400xf32, #tpu.memory_space<hbm>> -> memref<16384xf32, #tpu.memory_space<hbm>>
    %dma_wait3A_19 = arith.constant 0 : i32
    %dma_wait3A_20 = tpu.memref_slice %arg8[%dma_wait3A_19] : memref<26214400xf32, #tpu.memory_space<hbm>> -> memref<16384xf32, #tpu.memory_space<hbm>>
    tpu.wait_dma2 semaphore(%arg25 : memref<!tpu.dma_semaphore, #tpu.memory_space<semaphore_mem>>) src(%arg17 : memref<16384xf32, #tpu.memory_space<vmem>>) dst(%dma_wait3A_20 : memref<16384xf32, #tpu.memory_space<hbm>>)
    %dma_wait3A_21 = arith.constant 0 : i32
    %dma_wait3A_22 = tpu.memref_slice %arg8[%dma_wait3A_21] : memref<26214400xf32, #tpu.memory_space<hbm>> -> memref<16384xf32, #tpu.memory_space<hbm>>
    %dma_wait3A_23 = arith.constant 0 : i32
    %dma_wait3A_24 = tpu.memref_slice %arg8[%dma_wait3A_23] : memref<26214400xf32, #tpu.memory_space<hbm>> -> memref<16384xf32, #tpu.memory_space<hbm>>
    tpu.wait_dma2 semaphore(%arg26 : memref<!tpu.dma_semaphore, #tpu.memory_space<semaphore_mem>>) src(%arg18 : memref<16384xf32, #tpu.memory_space<vmem>>) dst(%dma_wait3A_24 : memref<16384xf32, #tpu.memory_space<hbm>>)
    return
  }
}

</mosaic_0001>

<sc_bundles>
// kernel: kernel.3.cloned.1.call-start
scs
__scs_entry_jumppad:
0x0: {  	(pc) =	sbr.rel $0x88, $3  }
0x1: {  	(tag) =	ssettag $0x0;
	lr =	simm.s32 $0x1  }
0x2: {  	[smem:$0x3F9A] =	sst lr;
	_ =	strace $0xD0000000  }
0x3: {  	_ = 	snop  }
0x4: {  	_ = 	snop  }
0x5: {  	_ = 	snop  }
0x6: {  	_ = 	snop  }
0x7: {  	_ = 	snop  }
__scs_overlays_trampoline_lowered:
0x8: {  	[smem:$0x3FA9] =	sst s0  }
0x9: {  	[smem:$0x3FAA] =	sst s1  }
0xa: {  	[smem:$0x3FAB] =	sst s2  }
0xb: {  	[smem:$0x3FAC] =	sst s3  }
0xc: {  	[smem:$0x3FAD] =	sst s4  }
0xd: {  	[smem:$0x3FAE] =	sst s5  }
0xe: {  	[smem:$0x3FAF] =	sst s6  }
0xf: {  	[smem:$0x3FB0] =	sst s7  }
0x10: {  	[smem:$0x3FB1] =	sst s8  }
0x11: {  	[smem:$0x3FB2] =	sst s9;
	s0 =	simm.s32 @!p0 $0x0  }
0x12: {  	s1 =	sld [smem:$0x3F98];
	s0 =	simm.s32 @p0 $0x1  }
0x13: {  	[smem:$0x3FB3] =	sst s0;
	s0 =	simm.s32 @!p1 $0x0  }
0x14: {  	s2 =	sld [smem:$0x3F97];
	s0 =	simm.s32 @p1 $0x1  }
0x15: {  	[smem:$0x3FB4] =	sst s0;
	s0 =	simm.s32 @!p2 $0x0  }
0x16: {  	s3 =	sld [smem:$0x3FDB];
	s0 =	simm.s32 @p2 $0x1  }
0x17: {  	s4 =	simm.s32 $0x1BF5;
	[smem:$0x3FB6] =	sst s0  }
0x18: {  	s0 =	sld [smem:$0x3F99];
	_ =	swait.ge [sflag:s4], $0x0  }
0x19: {  	s7 =	sld [smem:$0x3F9A]  }
0x1a: {  	s8 =	sadd.s32 $0xFFFFE003, lr  }
0x1b: {  	s9 =	sadd.s32 $0xFFFFFEF7, lr;
	s5 =	simm.s32 $0xFFFFFFFF;
	p2 =	slt.u32 s8, $0xFFFFF086  }
0x1c: {  	p1 =	slt.u32 s9, $0xF7A;
	s5 =	simm.s32 @!p2 $0x0  }
0x1d: {  	s5 =	simm.s32 @p1 $0x1;
	p0 =	seq.s32 s7, s2  }
0x1e: {  	s7 =	smul.u32 @!p0 $0xF7A, s2;
	p2 =	seq.s32 @!p0 s5, $0x0  }
0x1f: {  	s9 =	smul.u32 $0xF7A, s1;
	s8 =	simm.s32 @!p0 $0x1BF5;
	p2 =	por !p2, p0  }
0x20: {  	[sflag:s8] =	ssyncset.s32 @!p0 $0xFFFFF086;
	s6 =	sadd.s32 @!p0 s3, s7;
	s7 =	simm.s32 @!p0 $0x108  }
0x21: {  	s3 =	sadd.s32 s3, s9;
	s6 =	sadd.s32 @!p0 $0x88, s6;
	s7 =	simm.s32 @p2 $0x1082  }
0x22: {  	[simem:s7], [sflag:s8] =	dma.local @!p0 [hbm:s6], $0xF7A  }
0x23: {  	s9 =	sor.u32 $0xD0000000, s2;
	s6 =	simm.s32 $0x108;
	_ =	swait.ge @!p0 [sflag:s8], $0x0  }
0x24: {  	s3 =	sadd.s32 $0x88, s3;
	s6 =	simm.s32 @!p1 $0x1082;
	[sflag:s4] =	ssyncset.s32 $0xFFFFF086  }
0x25: {  	[simem:s6], [sflag:s4] =	dma.local [hbm:s3], $0xF7A  }
0x26: {  	[smem:$0x3F9A] =	sst s1;
	(tag) =	ssettag s2;
	_ =	strace s9  }
0x27: {  	s1 =	sld [smem:$0x3FAA]  }
0x28: {  	s2 =	sld [smem:$0x3FAB]  }
0x29: {  	s4 =	sld [smem:$0x3FAD]  }
0x2a: {  	p0 =	seq.s32 s5, $0x0;
	s5 =	sld [smem:$0x3FAE]  }
0x2b: {  	s6 =	sld [smem:$0x3FAF]  }
0x2c: {  	s7 =	sld [smem:$0x3FB0]  }
0x2d: {  	s3 =	simm.s32 $0x108;
	s8 =	sld [smem:$0x3FB1]  }
0x2e: {  	s3 =	simm.s32 @!p0 $0x1082;
	s9 =	sld [smem:$0x3FB2]  }
0x2f: {  	lr =	sadd.s32 s0, s3;
	s0 =	sld [smem:$0x3FA9]  }
0x30: {  	s3 =	sld [smem:$0x3FAC]  }
0x31: {  	[smem:$0x3FB5] =	sst s10  }
0x32: {  	s10 =	sld [smem:$0x3FB3];
	_ =	sdelay $0x3  }
0x33: {  	p0 =	seq.s32 s10, $0x1;
	s10 =	sld [smem:$0x3FB5];
	_ =	sdelay $0x3  }
0x34: {  	[smem:$0x3FB5] =	sst s10  }
0x35: {  	s10 =	sld [smem:$0x3FB4];
	_ =	sdelay $0x3  }
0x36: {  	p1 =	seq.s32 s10, $0x1;
	s10 =	sld [smem:$0x3FB5];
	_ =	sdelay $0x3  }
0x37: {  	[smem:$0x3FB5] =	sst s10  }
0x38: {  	s10 =	sld [smem:$0x3FB6]  }
0x39: {  	_ = 	snop;
	(pc) =	sbr.ind lr, $3  }
0x3a: {  	_ = 	snop  }
0x3b: {  	_ = 	snop  }
0x3c: {  	p2 =	seq.s32 s10, $0x1;
	s10 =	sld [smem:$0x3FB5]  }
0x3d: {  	_ =	shalt  }
0x3e: {  	_ =	shalt  }
0x3f: {  	_ =	shalt  }
0x40: {  	_ =	shalt  }
0x41: {  	_ =	shalt  }
0x42: {  	_ =	shalt  }
0x43: {  	_ =	shalt  }
0x44: {  	_ =	shalt  }
0x45: {  	_ =	shalt  }
0x46: {  	_ =	shalt  }
0x47: {  	_ =	shalt  }
0x48: {  	_ =	shalt  }
0x49: {  	_ =	shalt  }
0x4a: {  	_ =	shalt  }
0x4b: {  	_ =	shalt  }
0x4c: {  	_ =	shalt  }
0x4d: {  	_ =	shalt  }
0x4e: {  	_ =	shalt  }
0x4f: {  	_ =	shalt  }
0x50: {  	_ =	shalt  }
0x51: {  	_ =	shalt  }
0x52: {  	_ =	shalt  }
0x53: {  	_ =	shalt  }
0x54: {  	_ =	shalt  }
0x55: {  	_ =	shalt  }
0x56: {  	_ =	shalt  }
0x57: {  	_ =	shalt  }
0x58: {  	_ =	shalt  }
0x59: {  	_ =	shalt  }
0x5a: {  	_ =	shalt  }
0x5b: {  	_ =	shalt  }
0x5c: {  	_ =	shalt  }
0x5d: {  	_ =	shalt  }
0x5e: {  	_ =	shalt  }
0x5f: {  	_ =	shalt  }
0x60: {  	_ =	shalt  }
0x61: {  	_ =	shalt  }
0x62: {  	_ =	shalt  }
0x63: {  	_ =	shalt  }
0x64: {  	_ =	shalt  }
0x65: {  	_ =	shalt  }
0x66: {  	_ =	shalt  }
0x67: {  	_ =	shalt  }
0x68: {  	_ =	shalt  }
0x69: {  	_ =	shalt  }
0x6a: {  	_ =	shalt  }
0x6b: {  	_ =	shalt  }
0x6c: {  	_ =	shalt  }
0x6d: {  	_ =	shalt  }
0x6e: {  	_ =	shalt  }
0x6f: {  	_ =	shalt  }
0x70: {  	_ =	shalt  }
0x71: {  	_ =	shalt  }
0x72: {  	_ =	shalt  }
0x73: {  	_ =	shalt  }
0x74: {  	_ =	shalt  }
0x75: {  	_ =	shalt  }
0x76: {  	_ =	shalt  }
0x77: {  	_ =	shalt  }
0x78: {  	_ =	shalt  }
0x79: {  	_ =	shalt  }
0x7a: {  	_ =	shalt  }
0x7b: {  	_ =	shalt  }
0x7c: {  	_ =	shalt  }
0x7d: {  	_ =	shalt  }
0x7e: {  	_ =	shalt  }
0x7f: {  	_ =	shalt  }
0x80: {  	_ =	shalt  }
0x81: {  	_ =	shalt  }
0x82: {  	_ =	shalt  }
0x83: {  	_ =	shalt  }
0x84: {  	_ =	shalt  }
0x85: {  	_ =	shalt  }
0x86: {  	_ =	shalt  }
0x87: {  	_ =	shalt  }
.Lfunc_end0:
.L_simem_size_0:
called_computation_lowered:
.L_overlay_start_0:
0x88: {  	s2 =	sld [smem:$0x3FD9]  }
0x89: {  	s3 =	sld [smem:$0x3FFE];
	_ =	sdelay $0x1  }
0x8a: {  	s1 =	srdreg.scid  }
0x8b: {  	s0 =	sand.u32 $0x1, s1  }
0x8c: {  	s17 =	sshll.u32 s0, $0xA;
	s2 =	sadd.s32 s3, s2  }
0x8d: {  	s2 =	sadd.s32 s2, s17  }
0x8e: {  	[smem:$0x3FC1] =	sst s2  }
0x8f: {  	_ = 	snop  }
0x90: {  	s2 =	sld [smem:$0x3FC7]  }
0x91: {  	s18 =	sld [smem:$0x3FC4]  }
0x92: {  	s4 =	sld [smem:$0x3FC3]  }
0x93: {  	s5 =	sld [smem:$0x3FD0];
	(tm) =	ssettm $0x1  }
0x94: {  	s6 =	sld [smem:$0x3FFB];
	_ =	sdelay $0x3  }
0x95: {  	_ =	strace s6  }
0x96: {  	s6 =	sld [smem:$0x3FFC];
	_ =	sdelay $0x3  }
0x97: {  	_ =	strace s6  }
0x98: {  	s6 =	sld [smem:$0x3FFD];
	_ =	sdelay $0x3  }
0x99: {  	_ =	strace s6  }
0x9a: {  	_ =	strace $0x8FFFFFFF  }
0x9b: {  	s19 =	sld [smem:$0x3FDB];
	_ =	sdelay $0x1  }
0x9c: {  	s7 =	simm.s32 $_scs_section_size  }
0x9d: {  	s8 =	simm.s32 $_size__tile_overlayer_lowered;
	s9 =	simm.s32 $_tile_overlayer_lowered  }
0x9e: {  	s22 =	simm.s32 $0x1BFF;
	s21 =	sshll.u32 s9, $0x1;
	s6 =	sadd.s32 s7, s19  }
0x9f: {  	s10 =	simm.s32 $0x0;
	s20 =	sshll.u32 s8, $0x1;
	s8 =	sadd.s32 s21, s6  }
0xa0: {  	[timem:s10], [sflag:s22] =	dma.local [hbm:s8], s20  }
0xa1: {  	_ =	swait.ge [sflag:s22], s20  }
0xa2: {  	s7 =	ssub.s32 $0x0, s20;
	[sflag:s22] =	ssyncset.done $0x0  }
0xa3: {  	[sflag:s22] =	ssyncadd.s32 s7;
	_ =	sdelay $0x1  }
0xa4: {  	s23 =	simm.s32 $0x1B8B  }
0xa5: {  	_ =	swait.ge [sflag:s23], $0x1  }
0xa6: {  	[sflag:s23] =	ssyncset.done $0x0  }
0xa7: {  	s25 =	simm.s32 $0x1B8E;
	s24 =	sld [smem:$0x3FFE];
	[sflag:s23] =	ssyncadd.s32 $0xFFFFFFFF  }
0xa8: {  	s26 =	simm.s32 $execute0_lowered;
	[smem:$0x3FD2] =	sst s25  }
0xa9: {  	s8 =	sshll.u32 s26, $0x1;
	_ =	strace $0x80000046;
	[dreg:$0x1] =	wrdreg $0xFFFFFFFF  }
0xaa: {  	s28 =	simm.s32 $_size_execute0_lowered;
	s6 =	sadd.s32 s6, s8;
	[dreg:$0x0] =	wrdreg $0x0  }
0xab: {  	s8 =	sshll.u32 s28, $0x1;
	[dreg:$0x2] =	wrdreg s6  }
0xac: {  	[dreg:$0x3] =	wrdreg s8  }
0xad: {  	[dreg:$0x4] =	wrdreg $0xC0  }
0xae: {  	_ =	task [dreg:s10], $0x5FFFF  }
0xaf: {  	[dreg:$0x1] =	wrdreg $0xFFFFFFFF  }
0xb0: {  	[dreg:$0x0] =	wrdreg $0x60  }
0xb1: {  	[dreg:$0x2] =	wrdreg s2  }
0xb2: {  	[dreg:$0x3] =	wrdreg s24  }
0xb3: {  	[dreg:$0x4] =	wrdreg s18  }
0xb4: {  	[dreg:$0x5] =	wrdreg s4  }
0xb5: {  	[dreg:$0x6] =	wrdreg s5  }
0xb6: {  	[dreg:$0x7] =	wrdreg $0x9  }
0xb7: {  	_ =	task.clear_ibuf [dreg:s10], $0x8FFFF;
	_ =	strace $0x90000046  }
0xb8: {  	s29 =	simm.s32 $0x9;
	_ =	strace $0x80000048  }
0xb9: {  	_ =	swait.ge [sflag:s29], $0x1  }
0xba: {  	[sflag:s29] =	ssyncadd.s32 $0xFFFFFFFF  }
0xbb: {  	_ =	strace $0x90000048  }
0xbc: {  	_ =	sfence  }
0xbd: {  	s30 =	sld [smem:$0x0];
	_ =	sdelay $0x2  }
0xbe: {  	s31 =	sshll.u32 s1, $0xD;
	s1 =	sshrl.u32 s1, $0x2  }
0xbf: {  	s3 =	sand.u32 $0x4000, s31;
	s1 =	sadd.s32 s1, s30  }
0xc0: {  	s0 =	sor.u32 s3, s0;
	s1 =	sshll.u32 s1, $0x11  }
0xc1: {  	s0 =	sor.u32 s1, s0  }
0xc2: {  	s0 =	sadd.s32 $0x8F2B, s0  }
0xc3: {  	[sflag:s0] =	ssyncadd.remote.s32 $0x1  }
0xc4: {  	_ =	sfence.sel $0xFFFF  }
0xc5: {  	[dreg:$0x0] =	wrdreg $0xFFFFFFFF;
	(pc) =	sbr.abs _section_cstart, $3  }
0xc6: {  	[dreg:$0x1] =	wrdreg $0xFFFFFFFF  }
0xc7: {  	_ =	task.clear_ibuf [dreg:s10], $0x2FFFF;
	_ =	strace $0x9FFFFFFF  }
0xc8: {  	(tm) =	ssettm $0x7FFFFFFF  }
0xc9: {  	_ =	shalt  }
tec
execute0_lowered:
.L_overlay_start_1:
0x0: {  	(tag) =	ssettag $0x1  }
0x1: {  	s1 =	rddreg [dreg:$0x0]  }
0x2: {  	s0 =	rddreg [dreg:$0x1]  }
0x3: {  	s18 =	rddreg [dreg:$0x4];
	s6 =	simm.s32 $0x0  }
0x4: {  	s2 =	srdreg.scid;
	s3 =	stileid.u32;
	s16 =	simm.s32 $0x7  }
0x5: {  	s19 =	simm.s32 $0x80;
	s20 =	simm.s32 $0x200;
	s21 =	simm.s32 $0x8200  }
0x6: {  	s22 =	simm.s32 $0x1;
	s23 =	simm.s32 $0x3;
	s28 =	simm.s32 $0x10200  }
0x7: {  	s29 =	simm.s32 $0x2;
	s30 =	simm.s32 $0x4;
	s31 =	simm.s32 $0x14200  }
0x8: {  	[smem:$0x7FF] =	sst s6;
	s2 =	sand.u32 $0x1, s2;
	s3 =	sshll.u32 s3, $0x1  }
0x9: {  	s7 =	sadd.s32 $0xCC00, s0;
	s8 =	sadd.s32 $0x6800, s0;
	s3 =	sor.u32 s2, s3  }
0xa: {  	s9 =	sadd.s32 $0x400, s0;
	s2 =	ssub.s32 $0x2, s2;
	s4 =	smul.u32 $0x320, s3  }
0xb: {  	_ =	strace $0x80000047;
	s24 =	sshrl.u32 s2, $0x1;
	s10 =	smul.u32 $0x32, s3  }
0xc: {  	s3 =	simm.s32 $0x0;
	s0 =	ssub.s32 s2, s24;
	s25 =	sadd.s32 s8, s4  }
0xd: {  	s24 =	simm.s32 $0x180;
	s26 =	sadd.s32 s9, s4;
	[dreg:$0x6] =	wrdreg s25  }
0xe: {  	v0 =	vlaneseq.u32;
	s13 =	sadd.s32 $0x2, s10;
	s0 =	smax.u32 s0, $0x1;
	[dreg:$0x7] =	wrdreg s26  }
0xf: {  	v1 =	vmul.u32 $0x80, v0;
	v2 =	vadd.s32 $0x1, v0;
	[dreg:$0x8] =	wrdreg s0;
	s25 =	simm.s32 $0x4200;
	s26 =	simm.s32 $0xC200  }
.LBB2_1:
0x10: {  	[dreg:$0x9] =	wrdreg s3  }
0x11: {  	s0 =	rddreg [dreg:$0x2];
	s2 =	simm.s32 $0x18200  }
0x12: {  	[tilespmem:s2], [sflag:$0x7] =	stream.linear.gather [hbm4b:s0+s6], $0x80, $0x38;
	[tilespmem:$0x18300] =	vst v63  }
0x13: {  	_ =	swait.ge [sflag:s16], $0x80  }
0x14: {  	[sflag:s16] =	ssyncset.done $0x0  }
0x15: {  	[sflag:s16] =	ssyncadd.s32 $0xFFFFFF80  }
0x16: {  	s12 =	simm.s32 $0x18280;
	s11 =	rddreg [dreg:$0x3]  }
0x17: {  	[tilespmem:s12], [sflag:$0x7] =	stream.linear.gather [hbm4b:s11+s6], $0x80, $0x38;
	[tilespmem:$0x18300] =	vst v63  }
0x18: {  	_ =	swait.ge [sflag:s16], $0x80  }
0x19: {  	[sflag:s16] =	ssyncset.done $0x0  }
0x1a: {  	s14 =	rddreg [dreg:$0x6];
	[sflag:s16] =	ssyncadd.s32 $0xFFFFFF80  }
0x1b: {  	[tilespmem:s6], [sflag:$0x7] =	stream.linear.gather [hbm4b:s14+s6], $0x80, $0x38;
	[tilespmem:$0x18300] =	vst v63  }
0x1c: {  	_ =	swait.ge [sflag:s16], $0x80  }
0x1d: {  	[sflag:s16] =	ssyncset.done $0x0  }
0x1e: {  	s17 =	simm.s32 $0x100;
	s15 =	rddreg [dreg:$0x7];
	[sflag:s16] =	ssyncadd.s32 $0xFFFFFF80  }
0x1f: {  	[tilespmem:s17], [sflag:$0x7] =	stream.linear.gather [hbm4b:s15+s6], $0x80, $0x38;
	[tilespmem:$0x18300] =	vst v63  }
0x20: {  	_ =	swait.ge [sflag:s16], $0x80  }
0x21: {  	[sflag:s16] =	ssyncset.done $0x0  }
0x22: {  	[sflag:s16] =	ssyncadd.s32 $0xFFFFFF80  }
0x23: {  	[tilespmem:s20], [sflag:$0x1] =	stream.indirect.gather [hbm4b:s1+s19], $0x80, s6, s19, $0xb8;
	[tilespmem:$0x18300] =	vst v63  }
0x24: {  	s3 =	simm.s32 $0x0  }
0x25: {  	[tilespmem:s21], [sflag:$0x3] =	stream.indirect.gather [hbm4b:s7+s19], $0x80, s17, s19, $0xb8;
	[tilespmem:$0x18300] =	vst v63  }
.LBB2_2:
0x26: {  	s17 =	sshll.u32 s3, $0x1;
	_ =	swait.ge [sflag:s22], $0x4000  }
0x27: {  	[sflag:s22] =	ssyncset.done $0x0;
	s11 =	sadd.s32 s17, s10  }
0x28: {  	[sflag:s22] =	ssyncadd.s32 $0xFFFFC000;
	s15 =	sadd.s32 $0x1, s11  }
0x29: {  	_ =	swait.ge [sflag:s23], $0x4000;
	s11 =	sshll.u32 s15, $0x4  }
0x2a: {  	[sflag:s23] =	ssyncset.done $0x0;
	s11 =	sand.u32 $0x1FFFFFF0, s11  }
0x2b: {  	[sflag:s23] =	ssyncadd.s32 $0xFFFFC000;
	s12 =	sadd.s32 s8, s11  }
0x2c: {  	[tilespmem:s19], [sflag:$0x7] =	stream.linear.gather [hbm4b:s12+s6], $0x80, $0x38;
	[tilespmem:$0x18300] =	vst v63  }
0x2d: {  	_ =	swait.ge [sflag:s16], $0x80  }
0x2e: {  	[sflag:s16] =	ssyncset.done $0x0  }
0x2f: {  	s11 =	sadd.s32 s9, s11;
	[sflag:s16] =	ssyncadd.s32 $0xFFFFFF80  }
0x30: {  	[tilespmem:s24], [sflag:$0x7] =	stream.linear.gather [hbm4b:s11+s6], $0x80, $0x38;
	[tilespmem:$0x18300] =	vst v63  }
0x31: {  	_ =	swait.ge [sflag:s16], $0x80  }
0x32: {  	[sflag:s16] =	ssyncset.done $0x0  }
0x33: {  	p0 =	seq.s32 s3, $0x0;
	[sflag:s16] =	ssyncadd.s32 $0xFFFFFF80  }
0x34: {  	[tilespmem:s25], [sflag:$0x2] =	stream.indirect.gather [hbm4b:s1+s19], $0x80, s19, s19, $0xb8;
	[tilespmem:$0x18300] =	vst v63  }
0x35: {  	s11 =	simm.s32 @!p0 $0x5  }
0x36: {  	[tilespmem:s26], [sflag:$0x4] =	stream.indirect.gather [hbm4b:s7+s19], $0x80, s24, s19, $0xb8;
	[tilespmem:$0x18300] =	vst v63  }
0x37: {  	_ =	swait.ge @!p0 [sflag:s11], $0x4000  }
0x38: {  	s4 =	smov.u32 s18;
	[sflag:s11] =	ssyncset.done @!p0 $0x0  }
0x39: {  	s18 =	simm.s32 $0x0;
	[sflag:s11] =	ssyncadd.s32 @!p0 $0xFFFFC000;
	s11 =	simm.s32 $0x0  }
.LBB2_3:
0x3a: {  	s12 =	sshll.u32 s11, $0x4  }
0x3b: {  	s2 =	simm.s32 $0x2;
	v3 =	vmov s12  }
0x3c: {  	v4 =	vadd.s32 s2, v0;
	v3 =	vshll.u32 v3, $0x7  }
0x3d: {  	s14 =	simm.s32 $0x4;
	v4 =	vand.u32 $0x7F, v4;
	v3 =	vor.u32 v1, v3  }
0x3e: {  	v6 =	vadd.s32 s14, v0;
	v17 =	vor.u32 v3, v4  }
0x3f: {  	v6 =	vand.u32 $0x7F, v6  }
0x40: {  	v7 =	vadd.s32 s18, v2;
	v24 =	vor.u32 v3, v6  }
0x41: {  	v9 =	vadd.s32 s18, v0;
	v7 =	vand.u32 $0x7F, v7  }
0x42: {  	v9 =	vand.u32 $0x7F, v9;
	v15 =	vor.u32 v3, v7  }
0x43: {  	v5 =	vadd.s32 s2, v2;
	v29 =	vor.u32 v3, v9;
	v21 =	vld.idx.msk [tilespmem:v17+s21+$0x0], $0xffff  }
0x44: {  	s5 =	simm.s32 $0x6;
	v4 =	vand.u32 $0x7F, v5;
	v22 =	vld.idx.msk [tilespmem:v17+s20+$0x0], $0xffff  }
0x45: {  	v5 =	vadd.s32 s5, v0;
	v19 =	vor.u32 v3, v4;
	v23 =	vld.idx.msk [tilespmem:v24+s21+$0x0], $0xffff  }
0x46: {  	v4 =	vand.u32 $0x7F, v5;
	v25 =	vld.idx.msk [tilespmem:v24+s20+$0x0], $0xffff  }
0x47: {  	v6 =	vadd.s32 s5, v2;
	v5 =	vor.u32 v3, v4;
	v31 =	vld.idx.msk [tilespmem:v15+s21+$0x0], $0xffff  }
0x48: {  	v6 =	vand.u32 $0x7F, v6;
	v33 =	vld.idx.msk [tilespmem:v29+s20+$0x0], $0xffff  }
0x49: {  	v4 =	vadd.s32 s14, v2;
	v6 =	vor.u32 v3, v6;
	v34 =	vld.idx.msk [tilespmem:v15+s20+$0x0], $0xffff  }
0x4a: {  	v4 =	vand.u32 $0x7F, v4;
	v8 =	vld.idx.msk [tilespmem:v19+s21+$0x0], $0xffff  }
0x4b: {  	s0 =	simm.s32 $0xA;
	v4 =	vor.u32 v3, v4;
	v20 =	vld.idx.msk [tilespmem:v19+s20+$0x0], $0xffff  }
0x4c: {  	v7 =	vadd.s32 s0, v2;
	v14 =	vld.idx.msk [tilespmem:v5+s20+$0x0], $0xffff  }
0x4d: {  	v32 =	vimm.f32 $0.0e+00;
	s2 =	simm.s32 $0xC;
	v9 =	vadd.s32 s0, v0;
	v7 =	vand.u32 $0x7F, v7;
	v18 =	vld.idx.msk [tilespmem:v5+s21+$0x0], $0xffff  }
0x4e: {  	v9 =	vand.u32 $0x7F, v9;
	v10 =	vor.u32 v3, v7;
	v7 =	vadd.s32 s2, v2;
	v13 =	vld.idx.msk [tilespmem:v6+s21+$0x0], $0xffff  }
0x4f: {  	s5 =	simm.s32 $0xE;
	v12 =	vor.u32 v3, v9;
	v9 =	vadd.s32 s2, v0;
	s14 =	simm.s32 $0x8;
	v7 =	vand.u32 $0x7F, v7;
	v16 =	vld.idx.msk [tilespmem:v6+s20+$0x0], $0xffff  }
0x50: {  	v28 =	vand.u32 $0x7F, v9;
	v9 =	vadd.s32 s5, v0;
	v41 =	vadd.s32 s14, v2;
	v26 =	vld.idx.msk [tilespmem:v4+s21+$0x0], $0xffff  }
0x51: {  	v11 =	vor.u32 v3, v7;
	v7 =	vand.u32 $0x7F, v9;
	v9 =	vadd.s32 s5, v2;
	v27 =	vld.idx.msk [tilespmem:v4+s20+$0x0], $0xffff  }
0x52: {  	v35 =	vld.idx.msk [tilespmem:v29+s21+$0x0], $0xffff;
	v30 =	vand.u32 $0x7F, v9;
	v9 =	vor.u32 v3, v7;
	v25 =	vadd.f32 v23, v25  }
0x53: {  	v7 =	vor.u32 v3, v30;
	v40 =	vadd.f32 v8, v20;
	v20 =	vadd.f32 v31, v34  }
0x54: {  	v30 =	vld.idx.msk [tilespmem:v12+s20+$0x0], $0xffff;
	v13 =	vadd.f32 v13, v16;
	v16 =	vor.u32 v3, v28;
	v14 =	vadd.f32 v18, v14  }
0x55: {  	v8 =	vld.idx.msk [tilespmem:v10+s21+$0x0], $0xffff;
	v31 =	vmul.f32 v25, v25;
	[tilespmem:v24+s28+$0x0] =	vst.idx.msk $0xffff, v25;
	v36 =	vadd.f32 v20, v32  }
0x56: {  	v28 =	vld.idx.msk [tilespmem:v12+s21+$0x0], $0xffff;
	v37 =	vmul.f32 v20, v20;
	v39 =	vmul.f32 v40, v40;
	v18 =	vadd.f32 v26, v27  }
0x57: {  	v24 =	vld.idx.msk [tilespmem:v10+s20+$0x0], $0xffff;
	v23 =	vmul.f32 v13, v13;
	v27 =	vadd.f32 v35, v33;
	v33 =	vadd.f32 v21, v22  }
0x58: {  	v26 =	vmul.f32 v14, v14;
	v21 =	vld.idx.msk [tilespmem:v9+s20+$0x0], $0xffff;
	v37 =	vadd.f32 v37, v32;
	v36 =	vadd.f32 v40, v36  }
0x59: {  	v22 =	vld.idx.msk [tilespmem:v9+s21+$0x0], $0xffff;
	v35 =	vadd.f32 v27, v32;
	v38 =	vmul.f32 v27, v27;
	[tilespmem:v29+s28+$0x0] =	vst.idx.msk $0xffff, v27  }
0x5a: {  	v41 =	vand.u32 $0x7F, v41;
	v34 =	vmul.f32 v18, v18;
	v29 =	vadd.s32 s14, v0;
	v27 =	vld.idx.msk [tilespmem:v11+s21+$0x0], $0xffff;
	[tilespmem:v17+s28+$0x0] =	vst.idx.msk $0xffff, v33  }
0x5b: {  	v17 =	vand.u32 $0x7F, v29;
	v29 =	vld.idx.msk [tilespmem:v11+s20+$0x0], $0xffff;
	[tilespmem:v19+s28+$0x0] =	vst.idx.msk $0xffff, v40;
	v19 =	vor.u32 v3, v41  }
0x5c: {  	s12 =	simm.s32 $0x10;
	v40 =	vmul.f32 v33, v33;
	v38 =	vadd.f32 v38, v32;
	v17 =	vor.u32 v3, v17;
	v32 =	vld.idx.msk [tilespmem:v16+s21+$0x0], $0xffff  }
.LBB2_4:
0x5d: {  	s0 =	sadd.s32 $0x2, s12;
	[tilespmem:v15+s28+$0x0] =	vst.idx.msk $0xffff, v20;
	v15 =	vadd.f32 v39, v37;
	v20 =	vadd.f32 v18, v36  }
0x5e: {  	p0 =	slt.u32 s12, $0x78;
	v41 =	vld.idx.msk [tilespmem:v16+s20+$0x0], $0xffff;
	v42 =	vmovc v10;
	v39 =	vmovc v12;
	v36 =	vmov v16;
	v37 =	vmov v28;
	v43 =	vmov v30;
	s14 =	smov.u32 s12;
	s12 =	sadd.s32 $0x8, s12  }
0x5f: {  	v12 =	vadd.f32 v33, v35;
	v10 =	vadd.s32 s0, v2;
	v16 =	vadd.f32 v40, v38;
	[tilespmem:v4+s28+$0x0] =	vst.idx.msk $0xffff, v18  }
0x60: {  	v18 =	vadd.s32 s0, v0;
	v4 =	vmovc v11;
	v28 =	vld.idx.msk [tilespmem:v7+s21+$0x0], $0xffff;
	v15 =	vadd.f32 v34, v15;
	v34 =	vadd.f32 v13, v20  }
0x61: {  	v11 =	vand.u32 $0x7F, v18;
	v10 =	vand.u32 $0x7F, v10;
	v18 =	vld.idx.msk [tilespmem:v7+s20+$0x0], $0xffff;
	v16 =	vadd.f32 v31, v16;
	[tilespmem:v5+s28+$0x0] =	vst.idx.msk $0xffff, v14  }
0x62: {  	s0 =	sadd.s32 $0x4, s14;
	v25 =	vadd.f32 v25, v12;
	v10 =	vor.u32 v3, v10;
	v20 =	vld.idx.msk [tilespmem:v19+s21+$0x0], $0xffff;
	v38 =	vadd.f32 v23, v15  }
0x63: {  	s2 =	sadd.s32 $0x6, s14;
	v12 =	vor.u32 v3, v11;
	v11 =	vadd.s32 s0, v2;
	v5 =	vmovc v9;
	v31 =	vld.idx.msk [tilespmem:v17+s20+$0x0], $0xffff;
	v40 =	vadd.f32 v26, v16  }
0x64: {  	v9 =	vadd.s32 s0, v0;
	v11 =	vand.u32 $0x7F, v11;
	v35 =	vadd.f32 v14, v25;
	v26 =	vld.idx.msk [tilespmem:v19+s20+$0x0], $0xffff;
	[tilespmem:v6+s28+$0x0] =	vst.idx.msk $0xffff, v13  }
0x65: {  	v9 =	vand.u32 $0x7F, v9;
	v11 =	vor.u32 v3, v11;
	v13 =	vadd.s32 s2, v0;
	v6 =	vmovc v7;
	v15 =	vmovc v19;
	v33 =	vld.idx.msk [tilespmem:v17+s21+$0x0], $0xffff  }
0x66: {  	v16 =	vor.u32 v3, v9;
	v9 =	vadd.s32 s2, v2;
	v7 =	vand.u32 $0x7F, v13  }
0x67: {  	v14 =	vand.u32 $0x7F, v9;
	v9 =	vor.u32 v3, v7;
	v13 =	vadd.f32 v28, v18  }
0x68: {  	v7 =	vor.u32 v3, v14;
	v14 =	vadd.f32 v22, v21  }
0x69: {  	v25 =	vadd.f32 v32, v41;
	v19 =	vadd.f32 v8, v24;
	v23 =	vmul.f32 v13, v13;
	v28 =	vld.idx.msk [tilespmem:v12+s21+$0x0], $0xffff  }
0x6a: {  	v18 =	vadd.f32 v27, v29;
	v20 =	vadd.f32 v20, v26;
	v26 =	vmul.f32 v14, v14;
	v30 =	vld.idx.msk [tilespmem:v12+s20+$0x0], $0xffff  }
0x6b: {  	v27 =	vadd.f32 v33, v31;
	v33 =	vadd.f32 v37, v43;
	v31 =	vmul.f32 v25, v25;
	v8 =	vld.idx.msk [tilespmem:v10+s21+$0x0], $0xffff  }
0x6c: {  	v29 =	vadd.f32 v20, v34;
	v32 =	vmul.f32 v20, v20;
	v21 =	vld.idx.msk [tilespmem:v9+s20+$0x0], $0xffff;
	[tilespmem:v36+s28+$0x0] =	vst.idx.msk $0xffff, v25  }
.Ltmp0:
0x6d: {  	v34 =	vmul.f32 v18, v18;
	v35 =	vadd.f32 v27, v35;
	v41 =	vmul.f32 v27, v27;
	v22 =	vld.idx.msk [tilespmem:v9+s21+$0x0], $0xffff;
	(pc) =	sbr.rel @p0 .LBB2_4-.Ltmp0, $4  }
0x6e: {  	v37 =	vadd.f32 v32, v38;
	v36 =	vadd.f32 v19, v29;
	v24 =	vld.idx.msk [tilespmem:v10+s20+$0x0], $0xffff;
	[tilespmem:v17+s28+$0x0] =	vst.idx.msk $0xffff, v27  }
0x6f: {  	v29 =	vadd.s32 s14, v2;
	v17 =	vadd.s32 s14, v0;
	v27 =	vld.idx.msk [tilespmem:v11+s21+$0x0], $0xffff;
	[tilespmem:v39+s28+$0x0] =	vst.idx.msk $0xffff, v33;
	v39 =	vmul.f32 v19, v19  }
0x70: {  	v32 =	vand.u32 $0x7F, v29;
	v38 =	vadd.f32 v41, v40;
	v17 =	vand.u32 $0x7F, v17;
	v29 =	vld.idx.msk [tilespmem:v11+s20+$0x0], $0xffff;
	[tilespmem:v42+s28+$0x0] =	vst.idx.msk $0xffff, v19  }
0x71: {  	v40 =	vmul.f32 v33, v33;
	v17 =	vor.u32 v3, v17;
	v19 =	vor.u32 v3, v32;
	v32 =	vld.idx.msk [tilespmem:v16+s21+$0x0], $0xffff  }
0x72: {  	_ =	sdelay $0x3  }
0x73: {  	v42 =	vld.idx.msk [tilespmem:v7+s21+$0x0], $0xffff  }
0x74: {  	v37 =	vadd.f32 v39, v37;
	v55 =	vld.idx.msk [tilespmem:v19+s21+$0x0], $0xffff  }
0x75: {  	v33 =	vadd.f32 v33, v35;
	v57 =	vld.idx.msk [tilespmem:v17+s20+$0x0], $0xffff;
	v36 =	vadd.f32 v18, v36  }
0x76: {  	v58 =	vld.idx.msk [tilespmem:v19+s20+$0x0], $0xffff;
	v21 =	vadd.f32 v22, v21;
	v28 =	vadd.f32 v28, v30  }
0x77: {  	v59 =	vld.idx.msk [tilespmem:v17+s21+$0x0], $0xffff;
	v56 =	vadd.f32 v40, v38;
	v22 =	vadd.f32 v8, v24  }
0x78: {  	v43 =	vld.idx.msk [tilespmem:v7+s20+$0x0], $0xffff;
	v34 =	vadd.f32 v34, v37;
	v25 =	vadd.f32 v25, v33  }
0x79: {  	v41 =	vld.idx.msk [tilespmem:v16+s20+$0x0], $0xffff;
	v60 =	vadd.f32 v13, v36;
	v31 =	vadd.f32 v31, v56  }
0x7a: {  	v27 =	vadd.f32 v27, v29;
	v23 =	vadd.f32 v23, v34  }
0x7b: {  	v25 =	vadd.f32 v14, v25;
	v24 =	vadd.f32 v55, v58  }
0x7c: {  	v26 =	vadd.f32 v26, v31;
	v33 =	vadd.f32 v59, v57  }
0x7d: {  	v31 =	vadd.f32 v42, v43;
	v8 =	vadd.f32 v24, v60;
	v29 =	vmul.f32 v24, v24  }
0x7e: {  	v32 =	vadd.f32 v32, v41;
	v25 =	vadd.f32 v33, v25;
	v30 =	vmul.f32 v33, v33  }
0x7f: {  	v23 =	vadd.f32 v29, v23;
	v8 =	vadd.f32 v22, v8;
	v29 =	vmul.f32 v22, v22  }
0x80: {  	v26 =	vadd.f32 v30, v26;
	v30 =	vmul.f32 v28, v28;
	v25 =	vadd.f32 v28, v25  }
0x81: {  	v61 =	vmul.f32 v27, v27;
	v23 =	vadd.f32 v29, v23;
	v8 =	vadd.f32 v27, v8  }
0x82: {  	v29 =	vmul.f32 v32, v32;
	v26 =	vadd.f32 v30, v26;
	v25 =	vadd.f32 v32, v25  }
0x83: {  	v30 =	vmul.f32 v31, v31;
	v23 =	vadd.f32 v61, v23;
	v8 =	vadd.f32 v31, v8  }
0x84: {  	v62 =	vmul.f32 v21, v21;
	v26 =	vadd.f32 v29, v26;
	v25 =	vadd.f32 v21, v25  }
0x85: {  	v23 =	vadd.f32 v30, v23  }
0x86: {  	v26 =	vadd.f32 v62, v26;
	v8 =	vadd.f32 v8, v25;
	_ =	sdelay $0x1  }
0x87: {  	v8 =	vmul.f32 $7.812500000e-03, v8;
	v23 =	vadd.f32 v23, v26;
	_ =	sdelay $0x1  }
0x88: {  	v23 =	vmul.f32 $7.812500000e-03, v23;
	v25 =	vmul.f32 v8, v8;
	_ =	sdelay $0x1  }
0x89: {  	v23 =	vsub.f32 v23, v25;
	_ =	sdelay $0x1  }
0x8a: {  	v23 =	vadd.f32 $9.999999740e-06, v23;
	_ =	sdelay $0x1  }
0x8b: {  	v25 =	vshra.s32 v23, $0x1;
	v23 =	vmul.f32 $5.000000000e-01, v23  }
0x8c: {  	v25 =	vsub.s32 $0x5F3759DF, v25  }
0x8d: {  	v26 =	vmul.f32 v25, v23;
	_ =	sdelay $0x1  }
0x8e: {  	v26 =	vmul.f32 v25, v26;
	_ =	sdelay $0x1  }
0x8f: {  	[tilespmem:v5+s28+$0x0] =	vst.idx.msk $0xffff, v14;
	v26 =	vsub.f32 $1.500000000e+00, v26  }
0x90: {  	s0 =	simm.s32 $0x1;
	[tilespmem:v6+s28+$0x0] =	vst.idx.msk $0xffff, v13  }
0x91: {  	s5 =	simm.s32 $0x4;
	v5 =	vadd.s32 s0, v0;
	[tilespmem:v12+s28+$0x0] =	vst.idx.msk $0xffff, v28;
	v25 =	vmul.f32 v25, v26  }
0x92: {  	s12 =	simm.s32 $0x5;
	v6 =	vadd.s32 s5, v0;
	v5 =	vand.u32 $0x7F, v5;
	[tilespmem:v10+s28+$0x0] =	vst.idx.msk $0xffff, v22  }
0x93: {  	s2 =	simm.s32 $0x2;
	v6 =	vand.u32 $0x7F, v6;
	v12 =	vadd.s32 s12, v0;
	[tilespmem:v16+s28+$0x0] =	vst.idx.msk $0xffff, v32;
	v26 =	vmul.f32 v25, v23  }
0x94: {  	v10 =	vadd.s32 s2, v0;
	v5 =	vor.u32 v3, v5;
	[tilespmem:v11+s28+$0x0] =	vst.idx.msk $0xffff, v27;
	v11 =	vand.u32 $0x7F, v12  }
0x95: {  	[tilespmem:v15+s28+$0x0] =	vst.idx.msk $0xffff, v20;
	s14 =	simm.s32 $0x6;
	s12 =	simm.s32 $0x3;
	v22 =	vor.u32 v3, v6;
	v6 =	vand.u32 $0x7F, v10;
	v26 =	vmul.f32 v26, v25  }
0x96: {  	[tilespmem:v9+s28+$0x0] =	vst.idx.msk $0xffff, v21;
	v10 =	vadd.s32 s14, v0;
	v9 =	vor.u32 v3, v11;
	s14 =	simm.s32 $0x0;
	v11 =	vadd.s32 s12, v0  }
0x97: {  	[tilespmem:v4+s28+$0x0] =	vst.idx.msk $0xffff, v18;
	s5 =	simm.s32 $0x7;
	v11 =	vand.u32 $0x7F, v11;
	v13 =	vadd.s32 s14, v0;
	v26 =	vsub.f32 $1.500000000e+00, v26  }
0x98: {  	[tilespmem:v17+s28+$0x0] =	vst.idx.msk $0xffff, v33;
	v12 =	vadd.s32 s5, v0;
	v30 =	vor.u32 v3, v11;
	v11 =	vand.u32 $0x7F, v13  }
0x99: {  	[tilespmem:v7+s28+$0x0] =	vst.idx.msk $0xffff, v31;
	v10 =	vand.u32 $0x7F, v10;
	v13 =	vor.u32 v3, v11;
	v15 =	vmul.f32 v26, v25  }
0x9a: {  	[tilespmem:v19+s28+$0x0] =	vst.idx.msk $0xffff, v24;
	v7 =	vor.u32 v3, v10;
	v10 =	vand.u32 $0x7F, v12  }
0x9b: {  	v12 =	vld.idx.msk [tilespmem:v5+s28+$0x0], $0xffff;
	v10 =	vor.u32 v3, v10;
	v4 =	vmul.f32 v15, v23  }
0x9c: {  	s5 =	simm.s32 $0xA;
	s12 =	simm.s32 $0xB;
	v6 =	vor.u32 v3, v6;
	v14 =	vld.idx.msk [tilespmem:v22+s28+$0x0], $0xffff  }
0x9d: {  	s2 =	simm.s32 $0x9;
	v18 =	vadd.s32 s5, v0;
	s5 =	simm.s32 $0xE;
	v19 =	vadd.s32 s12, v0;
	v17 =	vld.idx.msk [tilespmem:v9+s28+$0x0], $0xffff;
	v4 =	vmul.f32 v4, v15  }
0x9e: {  	s12 =	simm.s32 $0xC;
	v24 =	vadd.s32 s5, v0;
	v18 =	vand.u32 $0x7F, v18;
	v11 =	vadd.s32 s2, v0;
	v28 =	vld.idx.msk [tilespmem:v13+s28+$0x0], $0xffff  }
0x9f: {  	v16 =	vadd.s32 s12, v0;
	v11 =	vand.u32 $0x7F, v11;
	v27 =	vld.idx.msk [tilespmem:v30+s28+$0x0], $0xffff;
	v4 =	vsub.f32 $1.500000000e+00, v4  }
0xa0: {  	v18 =	vor.u32 v3, v18;
	v16 =	vand.u32 $0x7F, v16;
	v11 =	vor.u32 v3, v11;
	v25 =	vld.idx.msk [tilespmem:v10+s28+$0x0], $0xffff  }
0xa1: {  	v20 =	vsub.f32 v12, v8;
	v12 =	vor.u32 v3, v16;
	v4 =	vmul.f32 v4, v15;
	v15 =	vld.idx.msk [tilespmem:v6+s28+$0x0], $0xffff  }
0xa2: {  	s14 =	simm.s32 $0xD;
	v21 =	vld.idx.msk [tilespmem:v7+s28+$0x0], $0xffff;
	v14 =	vsub.f32 v14, v8;
	v29 =	vsub.f32 v17, v8;
	v17 =	vand.u32 $0x7F, v19  }
0xa3: {  	s12 =	simm.s32 $0xF;
	v17 =	vor.u32 v3, v17;
	v28 =	vsub.f32 v28, v8;
	v23 =	vadd.s32 s14, v0  }
0xa4: {  	v26 =	vadd.s32 s12, v0;
	v16 =	vand.u32 $0x7F, v23;
	v23 =	vand.u32 $0x7F, v24  }
0xa5: {  	v16 =	vor.u32 v3, v16;
	v25 =	vsub.f32 v25, v8;
	v24 =	vmul.f32 v14, v4  }
0xa6: {  	v19 =	vld.idx.msk [tilespmem:v12+s28+$0x0], $0xffff;
	v31 =	vsub.f32 v15, v8;
	v15 =	vand.u32 $0x7F, v26;
	v26 =	vsub.f32 v27, v8  }
0xa7: {  	s14 =	simm.s32 $0x8;
	v14 =	vor.u32 v3, v23;
	v23 =	vld.idx.msk [tilespmem:v11+s28+$0x0], $0xffff;
	v29 =	vmul.f32 v29, v4;
	v27 =	vsub.f32 v21, v8  }
0xa8: {  	[tilespmem:v22+s28+$0x0] =	vst.idx.msk $0xffff, v24;
	v21 =	vadd.s32 s14, v0;
	v15 =	vor.u32 v3, v15;
	v63 =	vmul.f32 v26, v4  }
0xa9: {  	v24 =	vmul.f32 v25, v4;
	v22 =	vld.idx.msk [tilespmem:v18+s28+$0x0], $0xffff;
	v21 =	vand.u32 $0x7F, v21;
	v26 =	vmul.f32 v28, v4  }
0xaa: {  	s12 =	simm.s32 $0x10;
	v25 =	vld.idx.msk [tilespmem:v16+s28+$0x0], $0xffff;
	v21 =	vor.u32 v3, v21;
	v28 =	vmul.f32 v31, v4;
	[tilespmem:v30+s28+$0x0] =	vst.idx.msk $0xffff, v63  }
.LBB2_6:
0xab: {  	s0 =	sadd.s32 $0x1, s12;
	v20 =	vmul.f32 v20, v4  }
0xac: {  	s2 =	sadd.s32 $0x2, s12;
	s5 =	sadd.s32 $0x3, s12;
	v30 =	vld.idx.msk [tilespmem:v14+s28+$0x0], $0xffff;
	[tilespmem:v9+s28+$0x0] =	vst.idx.msk $0xffff, v29;
	v27 =	vmul.f32 v27, v4;
	v9 =	vmov v16;
	v31 =	vmov v17;
	s14 =	smov.u32 s12  }
0xad: {  	v16 =	vadd.s32 s0, v0;
	v29 =	vadd.s32 s2, v0;
	v32 =	vadd.s32 s5, v0;
	s0 =	sadd.s32 $0x4, s12;
	s2 =	sadd.s32 $0x5, s12;
	s5 =	sadd.s32 $0x6, s12;
	v33 =	vld.idx.msk [tilespmem:v15+s28+$0x0], $0xffff;
	[tilespmem:v6+s28+$0x0] =	vst.idx.msk $0xffff, v28;
	v6 =	vmovc v18  }
0xae: {  	p0 =	slt.u32 s12, $0x78;
	s12 =	sadd.s32 $0x8, s12;
	v18 =	vadd.s32 s0, v0;
	v28 =	vadd.s32 s2, v0;
	v34 =	vadd.s32 s5, v0;
	s0 =	sadd.s32 $0x7, s14;
	[tilespmem:v5+s28+$0x0] =	vst.idx.msk $0xffff, v20;
	v5 =	vmovc v11  }
0xaf: {  	v20 =	vsub.f32 v23, v8;
	v11 =	vand.u32 $0x7F, v18;
	v35 =	vadd.s32 s0, v0;
	v23 =	vld.idx.msk [tilespmem:v17+s28+$0x0], $0xffff;
	[tilespmem:v13+s28+$0x0] =	vst.idx.msk $0xffff, v26  }
0xb0: {  	v13 =	vand.u32 $0x7F, v16;
	v16 =	vand.u32 $0x7F, v28;
	v36 =	vor.u32 v3, v11;
	v26 =	vld.idx.msk [tilespmem:v21+s28+$0x0], $0xffff;
	[tilespmem:v10+s28+$0x0] =	vst.idx.msk $0xffff, v24  }
0xb1: {  	v11 =	vor.u32 v3, v13;
	v16 =	vor.u32 v3, v16;
	v24 =	vand.u32 $0x7F, v34;
	[tilespmem:v7+s28+$0x0] =	vst.idx.msk $0xffff, v27  }
0xb2: {  	v19 =	vsub.f32 v19, v8;
	v17 =	vand.u32 $0x7F, v29;
	v25 =	vsub.f32 v25, v8;
	v10 =	vmovc v15;
	v7 =	vmovc v14  }
0xb3: {  	v28 =	vsub.f32 v22, v8;
	v18 =	vor.u32 v3, v17;
	v14 =	vand.u32 $0x7F, v32;
	v13 =	vmovc v21  }
0xb4: {  	v17 =	vor.u32 v3, v14;
	v21 =	vmul.f32 v19, v4;
	v22 =	vsub.f32 v33, v8  }
.Ltmp1:
0xb5: {  	v15 =	vand.u32 $0x7F, v35;
	v14 =	vor.u32 v3, v24;
	v24 =	vsub.f32 v23, v8;
	v19 =	vld.idx.msk [tilespmem:v36+s28+$0x0], $0xffff;
	(pc) =	sbr.rel @p0 .LBB2_6-.Ltmp1, $4  }
0xb6: {  	v15 =	vor.u32 v3, v15;
	v27 =	vsub.f32 v30, v8;
	v26 =	vsub.f32 v26, v8;
	v23 =	vld.idx.msk [tilespmem:v11+s28+$0x0], $0xffff  }
0xb7: {  	v29 =	vadd.s32 s14, v0;
	v30 =	vmul.f32 v24, v4;
	v24 =	vmul.f32 v22, v4;
	[tilespmem:v12+s28+$0x0] =	vst.idx.msk $0xffff, v21  }
0xb8: {  	v21 =	vand.u32 $0x7F, v29;
	v26 =	vmul.f32 v26, v4;
	v29 =	vmul.f32 v25, v4;
	v12 =	vmovc v36;
	v22 =	vld.idx.msk [tilespmem:v18+s28+$0x0], $0xffff  }
0xb9: {  	v28 =	vmul.f32 v28, v4;
	v21 =	vor.u32 v3, v21;
	v25 =	vld.idx.msk [tilespmem:v16+s28+$0x0], $0xffff;
	[tilespmem:v31+s28+$0x0] =	vst.idx.msk $0xffff, v30  }
0xba: {  	_ =	sdelay $0x3  }
0xbb: {  	v3 =	vld.idx.msk [tilespmem:v17+s28+$0x0], $0xffff;
	[tilespmem:v9+s28+$0x0] =	vst.idx.msk $0xffff, v29  }
0xbc: {  	[tilespmem:v13+s28+$0x0] =	vst.idx.msk $0xffff, v26  }
0xbd: {  	v20 =	vmul.f32 v20, v4;
	v53 =	vld.idx.msk [tilespmem:v21+s28+$0x0], $0xffff;
	v54 =	vsub.f32 v19, v8;
	[tilespmem:v10+s28+$0x0] =	vst.idx.msk $0xffff, v24  }
0xbe: {  	v55 =	vmul.f32 v27, v4;
	v57 =	vld.idx.msk [tilespmem:v14+s28+$0x0], $0xffff;
	[tilespmem:v6+s28+$0x0] =	vst.idx.msk $0xffff, v28;
	v60 =	vsub.f32 v23, v8  }
0xbf: {  	v56 =	vld.idx.msk [tilespmem:v15+s28+$0x0], $0xffff;
	[tilespmem:v5+s28+$0x0] =	vst.idx.msk $0xffff, v20;
	v6 =	vmul.f32 v54, v4;
	v59 =	vsub.f32 v22, v8  }
0xc0: {  	[tilespmem:v7+s28+$0x0] =	vst.idx.msk $0xffff, v55;
	v9 =	vmul.f32 v60, v4;
	v3 =	vsub.f32 v3, v8  }
0xc1: {  	v58 =	vsub.f32 v25, v8;
	[tilespmem:v12+s28+$0x0] =	vst.idx.msk $0xffff, v6;
	v7 =	vmul.f32 v59, v4  }
0xc2: {  	s11 =	sadd.s32 $0x1, s11;
	v5 =	vsub.f32 v53, v8;
	[tilespmem:v11+s28+$0x0] =	vst.idx.msk $0xffff, v9;
	v3 =	vmul.f32 v3, v4  }
0xc3: {  	p0 =	sne.s32 s11, $0x8;
	v62 =	vsub.f32 v57, v8;
	v61 =	vmul.f32 v58, v4;
	[tilespmem:v18+s28+$0x0] =	vst.idx.msk $0xffff, v7  }
.Ltmp2:
0xc4: {  	v5 =	vmul.f32 v5, v4;
	[tilespmem:v17+s28+$0x0] =	vst.idx.msk $0xffff, v3;
	v3 =	vsub.f32 v56, v8;
	(pc) =	sbr.rel @p0 .LBB2_3-.Ltmp2, $4  }
0xc5: {  	v63 =	vmul.f32 v62, v4;
	[tilespmem:v16+s28+$0x0] =	vst.idx.msk $0xffff, v61  }
0xc6: {  	[tilespmem:v21+s28+$0x0] =	vst.idx.msk $0xffff, v5;
	v3 =	vmul.f32 v3, v4  }
0xc7: {  	[tilespmem:v14+s28+$0x0] =	vst.idx.msk $0xffff, v63  }
0xc8: {  	[tilespmem:v15+s28+$0x0] =	vst.idx.msk $0xffff, v3  }
0xc9: {  	v3 =	vld [tilespmem:$0x18200]  }
0xca: {  	v12 =	vld [tilespmem:$0x18210]  }
0xcb: {  	v13 =	vld [tilespmem:$0x18220]  }
0xcc: {  	v10 =	vld [tilespmem:$0x18230]  }
0xcd: {  	v8 =	vld [tilespmem:$0x18240]  }
0xce: {  	v6 =	vld [tilespmem:$0x18250]  }
0xcf: {  	v5 =	vld [tilespmem:$0x18260]  }
0xd0: {  	v17 =	vld [tilespmem:$0x18270]  }
0xd1: {  	v4 =	vld [tilespmem:$0x18280]  }
0xd2: {  	v16 =	vld [tilespmem:$0x18290]  }
0xd3: {  	v15 =	vld [tilespmem:$0x182A0]  }
0xd4: {  	v14 =	vld [tilespmem:$0x182B0]  }
0xd5: {  	v11 =	vld [tilespmem:$0x182C0]  }
0xd6: {  	v9 =	vld [tilespmem:$0x182D0]  }
0xd7: {  	v7 =	vld [tilespmem:$0x182E0]  }
0xd8: {  	s11 =	simm.s32 $0x10280;
	v18 =	vld [tilespmem:$0x182F0]  }
0xd9: {  	v19 =	vld [tilespmem:s11+$0x70]  }
0xda: {  	v20 =	vld [tilespmem:s11+$0xFFFFFF90]  }
0xdb: {  	v21 =	vld [tilespmem:s11+$0xFFFFFFA0]  }
0xdc: {  	v22 =	vld [tilespmem:s11+$0xFFFFFFB0]  }
0xdd: {  	v23 =	vld [tilespmem:s11+$0xFFFFFFC0]  }
0xde: {  	v24 =	vld [tilespmem:s11+$0xFFFFFFD0];
	v19 =	vmul.f32 v19, v17  }
0xdf: {  	v25 =	vld [tilespmem:s11+$0xFFFFFFE0];
	v20 =	vmul.f32 v20, v12  }
0xe0: {  	v26 =	vld [tilespmem:s11+$0xFFFFFFF0];
	v21 =	vmul.f32 v21, v13;
	v19 =	vadd.f32 v19, v18  }
0xe1: {  	v27 =	vld [tilespmem:s11+$0x0];
	v22 =	vmul.f32 v22, v10;
	v20 =	vadd.f32 v20, v16  }
0xe2: {  	v28 =	vld [tilespmem:s11+$0x10];
	v23 =	vmul.f32 v23, v8;
	v21 =	vadd.f32 v21, v15;
	[tilespmem:s11+$0x70] =	vst v19  }
0xe3: {  	v29 =	vld [tilespmem:s11+$0x20];
	[tilespmem:s11+$0xFFFFFF90] =	vst v20;
	v19 =	vadd.f32 v22, v14;
	v22 =	vmul.f32 v24, v6  }
0xe4: {  	v23 =	vadd.f32 v23, v11;
	[tilespmem:s11+$0xFFFFFFA0] =	vst v21;
	v24 =	vmul.f32 v25, v5;
	v20 =	vld [tilespmem:s11+$0x30]  }
0xe5: {  	v25 =	vmul.f32 v26, v17;
	v21 =	vld [tilespmem:s11+$0x40];
	[tilespmem:s11+$0xFFFFFFB0] =	vst v19;
	v19 =	vadd.f32 v22, v9  }
0xe6: {  	v27 =	vmul.f32 v27, v3;
	[tilespmem:s11+$0xFFFFFFC0] =	vst v23;
	v26 =	vadd.f32 v24, v7;
	v22 =	vld [tilespmem:s11+$0x50]  }
0xe7: {  	v23 =	vld [tilespmem:s11+$0x60];
	v24 =	vadd.f32 v25, v18;
	v25 =	vmul.f32 v28, v12;
	[tilespmem:s11+$0xFFFFFFD0] =	vst v19  }
0xe8: {  	s12 =	simm.s32 $0x0;
	s14 =	simm.s32 $0x10380;
	v19 =	vld [tilespmem:s11+$0xFFFFFF80];
	[tilespmem:s11+$0xFFFFFFE0] =	vst v26;
	v26 =	vadd.f32 v27, v4;
	v27 =	vmul.f32 v29, v13  }
.LBB2_9:
0xe9: {  	v28 =	vld [tilespmem:s14+$0x70];
	s12 =	sadd.s32 $0x2, s12;
	[tilespmem:s11+$0xFFFFFFF0] =	vst v24;
	v24 =	vadd.f32 v25, v16;
	v20 =	vmul.f32 v20, v10  }
0xea: {  	v25 =	vld [tilespmem:s14+$0xFFFFFF90];
	p0 =	slt.u32 s12, $0x7E;
	[tilespmem:s11+$0x0] =	vst v26;
	v26 =	vadd.f32 v27, v15;
	v21 =	vmul.f32 v21, v8  }
0xeb: {  	v27 =	vld [tilespmem:s14+$0xFFFFFFA0];
	[tilespmem:s11+$0x10] =	vst v24;
	v20 =	vadd.f32 v20, v14;
	v22 =	vmul.f32 v22, v6  }
0xec: {  	v24 =	vld [tilespmem:s14+$0xFFFFFFB0];
	[tilespmem:s11+$0x20] =	vst v26;
	v21 =	vadd.f32 v21, v11;
	v23 =	vmul.f32 v23, v5  }
0xed: {  	v26 =	vld [tilespmem:s14+$0xFFFFFFC0];
	v19 =	vmul.f32 v19, v3;
	[tilespmem:s11+$0x30] =	vst v20;
	v20 =	vadd.f32 v22, v9  }
0xee: {  	v22 =	vld [tilespmem:s14+$0xFFFFFFD0];
	v28 =	vmul.f32 v28, v17;
	[tilespmem:s11+$0x40] =	vst v21;
	v21 =	vadd.f32 v23, v7  }
0xef: {  	v23 =	vmul.f32 v25, v12;
	v25 =	vld [tilespmem:s14+$0xFFFFFFE0];
	v19 =	vadd.f32 v19, v4;
	[tilespmem:s11+$0x50] =	vst v20  }
0xf0: {  	v20 =	vmul.f32 v27, v13;
	v27 =	vld [tilespmem:s14+$0xFFFFFFF0];
	v28 =	vadd.f32 v28, v18;
	[tilespmem:s11+$0x60] =	vst v21  }
0xf1: {  	v21 =	vadd.f32 v23, v16;
	v23 =	vmul.f32 v24, v10;
	v24 =	vld [tilespmem:s14+$0x0];
	[tilespmem:s11+$0xFFFFFF80] =	vst v19;
	s11 =	smov.u32 s14  }
0xf2: {  	v19 =	vadd.f32 v20, v15;
	v20 =	vmul.f32 v26, v8;
	v26 =	vld [tilespmem:s14+$0x10];
	[tilespmem:s14+$0x70] =	vst v28  }
0xf3: {  	[tilespmem:s14+$0xFFFFFF90] =	vst v21;
	v21 =	vadd.f32 v23, v14;
	v22 =	vmul.f32 v22, v6;
	v28 =	vld [tilespmem:s14+$0x20]  }
.Ltmp3:
0xf4: {  	[tilespmem:s14+$0xFFFFFFA0] =	vst v19;
	v19 =	vadd.f32 v20, v11;
	v23 =	vmul.f32 v25, v5;
	v20 =	vld [tilespmem:s14+$0x30];
	(pc) =	sbr.rel @p0 .LBB2_9-.Ltmp3, $4  }
0xf5: {  	[tilespmem:s14+$0xFFFFFFB0] =	vst v21;
	v25 =	vadd.f32 v22, v9;
	v27 =	vmul.f32 v27, v17;
	v21 =	vld [tilespmem:s14+$0x40]  }
0xf6: {  	[tilespmem:s14+$0xFFFFFFC0] =	vst v19;
	v29 =	vadd.f32 v23, v7;
	v30 =	vmul.f32 v24, v3;
	v22 =	vld [tilespmem:s14+$0x50]  }
0xf7: {  	[tilespmem:s14+$0xFFFFFFD0] =	vst v25;
	v24 =	vadd.f32 v27, v18;
	v25 =	vmul.f32 v26, v12;
	v23 =	vld [tilespmem:s14+$0x60]  }
0xf8: {  	s14 =	sadd.s32 $0x100, s14;
	v19 =	vld [tilespmem:s11+$0xFFFFFF80];
	[tilespmem:s11+$0xFFFFFFE0] =	vst v29;
	v26 =	vadd.f32 v30, v4;
	v27 =	vmul.f32 v28, v13  }
0xf9: {  	[tilespmem:s11+$0xFFFFFFF0] =	vst v24;
	v12 =	vadd.f32 v25, v16;
	v10 =	vmul.f32 v20, v10  }
0xfa: {  	[tilespmem:s11+$0x0] =	vst v26;
	v13 =	vadd.f32 v27, v15;
	v8 =	vmul.f32 v21, v8  }
0xfb: {  	[tilespmem:s11+$0x10] =	vst v12;
	v10 =	vadd.f32 v10, v14;
	v6 =	vmul.f32 v22, v6  }
0xfc: {  	[tilespmem:s11+$0x20] =	vst v13;
	v8 =	vadd.f32 v8, v11;
	v5 =	vmul.f32 v23, v5  }
0xfd: {  	v3 =	vmul.f32 v19, v3;
	[tilespmem:s11+$0x30] =	vst v10;
	v6 =	vadd.f32 v6, v9  }
0xfe: {  	[tilespmem:s11+$0x40] =	vst v8;
	v5 =	vadd.f32 v5, v7  }
0xff: {  	s0 =	sadd.s32 s10, s17;
	v3 =	vadd.f32 v3, v4;
	[tilespmem:s11+$0x50] =	vst v6  }
0x100: {  	s0 =	sshll.u32 s0, $0xB;
	[tilespmem:s11+$0x60] =	vst v5  }
0x101: {  	s0 =	sadd.s32 s4, s0;
	[tilespmem:s11+$0xFFFFFF80] =	vst v3  }
0x102: {  	[hbm4b:s0+s6] =	stream.linear.scatter [tilespmem:s28], [sflag:$0x5], $0x4000, $0x38;
	[tilespmem:$0x18300] =	vst v63  }
0x103: {  	_ =	swait.ge [sflag:s29], $0x4000  }
0x104: {  	p0 =	seq.s32 s3, $0x18;
	[sflag:s29] =	ssyncset.done $0x0  }
0x105: {  	s0 =	sadd.s32 @!p0 s17, s13;
	[sflag:s29] =	ssyncadd.s32 $0xFFFFC000  }
0x106: {  	s0 =	sshll.u32 @!p0 s0, $0x4;
	_ =	swait.ge [sflag:s30], $0x4000  }
0x107: {  	s0 =	sand.u32 @!p0 $0x1FFFFFE0, s0;
	[sflag:s30] =	ssyncset.done $0x0  }
0x108: {  	s5 =	simm.s32 @!p0 $0x0;
	s2 =	sadd.s32 @!p0 s8, s0;
	[sflag:s30] =	ssyncadd.s32 $0xFFFFC000  }
0x109: {  	[tilespmem:s5], [sflag:$0x7] =	stream.linear.gather @!p0 [hbm4b:s2+s5], $0x80, $0x38;
	[tilespmem:$0x18300] =	vst v63  }
0x10a: {  	s2 =	simm.s32 @!p0 $0x7  }
0x10b: {  	_ =	swait.ge @!p0 [sflag:s2], $0x80  }
0x10c: {  	[sflag:s2] =	ssyncset.done @!p0 $0x0  }
0x10d: {  	s11 =	simm.s32 @!p0 $0x100;
	s0 =	sadd.s32 @!p0 s9, s0;
	[sflag:s2] =	ssyncadd.s32 @!p0 $0xFFFFFF80  }
0x10e: {  	[tilespmem:s11], [sflag:$0x7] =	stream.linear.gather @!p0 [hbm4b:s0+s5], $0x80, $0x38;
	[tilespmem:$0x18300] =	vst v63  }
0x10f: {  	_ =	swait.ge @!p0 [sflag:s2], $0x80  }
0x110: {  	[sflag:s2] =	ssyncset.done @!p0 $0x0  }
0x111: {  	s0 =	simm.s32 @!p0 $0x80;
	[sflag:s2] =	ssyncadd.s32 @!p0 $0xFFFFFF80;
	s2 =	simm.s32 @!p0 $0x200  }
0x112: {  	[tilespmem:s2], [sflag:$0x1] =	stream.indirect.gather @!p0 [hbm4b:s1+s0], $0x80, s5, s0, $0xb8;
	[tilespmem:$0x18300] =	vst v63  }
0x113: {  	p1 =	seq.s32 @!p0 s3, $0x0;
	s2 =	simm.s32 @!p0 $0x8200  }
0x114: {  	[tilespmem:s2], [sflag:$0x3] =	stream.indirect.gather @!p0 [hbm4b:s7+s0], $0x80, s11, s0, $0xb8;
	[tilespmem:$0x18300] =	vst v63  }
0x115: {  	p0 =	por p0, !p1  }
0x116: {  	s0 =	simm.s32 @p0 $0x6  }
0x117: {  	_ =	swait.ge @p0 [sflag:s0], $0x4000  }
0x118: {  	s18 =	smov.u32 s4;
	[sflag:s0] =	ssyncset.done @p0 $0x0  }
0x119: {  	s17 =	simm.s32 $0x0;
	s11 =	simm.s32 $0x0;
	[sflag:s0] =	ssyncadd.s32 @p0 $0xFFFFC000  }
.LBB2_11:
0x11a: {  	s0 =	sshll.u32 s11, $0x4  }
0x11b: {  	s12 =	simm.s32 $0x2;
	v3 =	vmov s0  }
0x11c: {  	v4 =	vadd.s32 s12, v0;
	v3 =	vshll.u32 v3, $0x7  }
0x11d: {  	s2 =	simm.s32 $0x4;
	v4 =	vand.u32 $0x7F, v4;
	v3 =	vor.u32 v1, v3  }
0x11e: {  	v6 =	vadd.s32 s2, v0;
	v17 =	vor.u32 v3, v4  }
0x11f: {  	v6 =	vand.u32 $0x7F, v6  }
0x120: {  	v7 =	vadd.s32 s17, v2;
	v24 =	vor.u32 v3, v6  }
0x121: {  	v9 =	vadd.s32 s17, v0;
	v7 =	vand.u32 $0x7F, v7  }
0x122: {  	v9 =	vand.u32 $0x7F, v9;
	v15 =	vor.u32 v3, v7  }
0x123: {  	v5 =	vadd.s32 s12, v2;
	v29 =	vor.u32 v3, v9;
	v21 =	vld.idx.msk [tilespmem:v17+s26+$0x0], $0xffff  }
0x124: {  	s14 =	simm.s32 $0x6;
	v4 =	vand.u32 $0x7F, v5;
	v22 =	vld.idx.msk [tilespmem:v17+s25+$0x0], $0xffff  }
0x125: {  	v5 =	vadd.s32 s14, v0;
	v19 =	vor.u32 v3, v4;
	v23 =	vld.idx.msk [tilespmem:v24+s26+$0x0], $0xffff  }
0x126: {  	v4 =	vand.u32 $0x7F, v5;
	v25 =	vld.idx.msk [tilespmem:v24+s25+$0x0], $0xffff  }
0x127: {  	v6 =	vadd.s32 s14, v2;
	v5 =	vor.u32 v3, v4;
	v31 =	vld.idx.msk [tilespmem:v15+s26+$0x0], $0xffff  }
0x128: {  	v6 =	vand.u32 $0x7F, v6;
	v33 =	vld.idx.msk [tilespmem:v29+s25+$0x0], $0xffff  }
0x129: {  	v4 =	vadd.s32 s2, v2;
	v6 =	vor.u32 v3, v6;
	v34 =	vld.idx.msk [tilespmem:v15+s25+$0x0], $0xffff  }
0x12a: {  	v4 =	vand.u32 $0x7F, v4;
	v8 =	vld.idx.msk [tilespmem:v19+s26+$0x0], $0xffff  }
0x12b: {  	s4 =	simm.s32 $0xA;
	v4 =	vor.u32 v3, v4;
	v20 =	vld.idx.msk [tilespmem:v19+s25+$0x0], $0xffff  }
0x12c: {  	v7 =	vadd.s32 s4, v2;
	v14 =	vld.idx.msk [tilespmem:v5+s25+$0x0], $0xffff  }
0x12d: {  	v32 =	vimm.f32 $0.0e+00;
	v9 =	vadd.s32 s4, v0;
	s14 =	simm.s32 $0x8;
	v7 =	vand.u32 $0x7F, v7;
	v18 =	vld.idx.msk [tilespmem:v5+s26+$0x0], $0xffff  }
0x12e: {  	s5 =	simm.s32 $0xC;
	v9 =	vand.u32 $0x7F, v9;
	v41 =	vadd.s32 s14, v2;
	v10 =	vor.u32 v3, v7;
	v13 =	vld.idx.msk [tilespmem:v6+s26+$0x0], $0xffff  }
0x12f: {  	s12 =	simm.s32 $0xE;
	v12 =	vor.u32 v3, v9;
	v7 =	vadd.s32 s5, v2;
	v9 =	vadd.s32 s5, v0;
	v16 =	vld.idx.msk [tilespmem:v6+s25+$0x0], $0xffff  }
0x130: {  	v7 =	vand.u32 $0x7F, v7;
	v28 =	vand.u32 $0x7F, v9;
	v9 =	vadd.s32 s12, v0;
	v26 =	vld.idx.msk [tilespmem:v4+s26+$0x0], $0xffff  }
0x131: {  	v11 =	vor.u32 v3, v7;
	v7 =	vand.u32 $0x7F, v9;
	v9 =	vadd.s32 s12, v2;
	v27 =	vld.idx.msk [tilespmem:v4+s25+$0x0], $0xffff  }
0x132: {  	v35 =	vld.idx.msk [tilespmem:v29+s26+$0x0], $0xffff;
	v30 =	vand.u32 $0x7F, v9;
	v9 =	vor.u32 v3, v7;
	v25 =	vadd.f32 v23, v25  }
0x133: {  	v7 =	vor.u32 v3, v30;
	v40 =	vadd.f32 v8, v20;
	v20 =	vadd.f32 v31, v34  }
0x134: {  	v30 =	vld.idx.msk [tilespmem:v12+s25+$0x0], $0xffff;
	v13 =	vadd.f32 v13, v16;
	v16 =	vor.u32 v3, v28;
	v14 =	vadd.f32 v18, v14  }
0x135: {  	v8 =	vld.idx.msk [tilespmem:v10+s26+$0x0], $0xffff;
	v31 =	vmul.f32 v25, v25;
	[tilespmem:v24+s31+$0x0] =	vst.idx.msk $0xffff, v25;
	v36 =	vadd.f32 v20, v32  }
0x136: {  	v28 =	vld.idx.msk [tilespmem:v12+s26+$0x0], $0xffff;
	v37 =	vmul.f32 v20, v20;
	v39 =	vmul.f32 v40, v40;
	v18 =	vadd.f32 v26, v27  }
0x137: {  	v24 =	vld.idx.msk [tilespmem:v10+s25+$0x0], $0xffff;
	v23 =	vmul.f32 v13, v13;
	v27 =	vadd.f32 v35, v33;
	v33 =	vadd.f32 v21, v22  }
0x138: {  	v26 =	vmul.f32 v14, v14;
	v21 =	vld.idx.msk [tilespmem:v9+s25+$0x0], $0xffff;
	v37 =	vadd.f32 v37, v32;
	v36 =	vadd.f32 v40, v36  }
0x139: {  	v22 =	vld.idx.msk [tilespmem:v9+s26+$0x0], $0xffff;
	v35 =	vadd.f32 v27, v32;
	v38 =	vmul.f32 v27, v27;
	[tilespmem:v29+s31+$0x0] =	vst.idx.msk $0xffff, v27  }
0x13a: {  	v41 =	vand.u32 $0x7F, v41;
	v34 =	vmul.f32 v18, v18;
	v29 =	vadd.s32 s14, v0;
	v27 =	vld.idx.msk [tilespmem:v11+s26+$0x0], $0xffff;
	[tilespmem:v17+s31+$0x0] =	vst.idx.msk $0xffff, v33  }
0x13b: {  	v17 =	vand.u32 $0x7F, v29;
	v29 =	vld.idx.msk [tilespmem:v11+s25+$0x0], $0xffff;
	[tilespmem:v19+s31+$0x0] =	vst.idx.msk $0xffff, v40;
	v19 =	vor.u32 v3, v41  }
0x13c: {  	s12 =	simm.s32 $0x10;
	v40 =	vmul.f32 v33, v33;
	v38 =	vadd.f32 v38, v32;
	v17 =	vor.u32 v3, v17;
	v32 =	vld.idx.msk [tilespmem:v16+s26+$0x0], $0xffff  }
.LBB2_12:
0x13d: {  	s0 =	sadd.s32 $0x2, s12;
	[tilespmem:v15+s31+$0x0] =	vst.idx.msk $0xffff, v20;
	v15 =	vadd.f32 v39, v37;
	v20 =	vadd.f32 v18, v36  }
0x13e: {  	p0 =	slt.u32 s12, $0x78;
	v41 =	vld.idx.msk [tilespmem:v16+s25+$0x0], $0xffff;
	v42 =	vmovc v10;
	v39 =	vmovc v12;
	v36 =	vmov v16;
	v37 =	vmov v28;
	v43 =	vmov v30;
	s14 =	smov.u32 s12;
	s12 =	sadd.s32 $0x8, s12  }
0x13f: {  	v12 =	vadd.f32 v33, v35;
	v10 =	vadd.s32 s0, v2;
	v16 =	vadd.f32 v40, v38;
	[tilespmem:v4+s31+$0x0] =	vst.idx.msk $0xffff, v18  }
0x140: {  	v18 =	vadd.s32 s0, v0;
	v4 =	vmovc v11;
	v28 =	vld.idx.msk [tilespmem:v7+s26+$0x0], $0xffff;
	v15 =	vadd.f32 v34, v15;
	v34 =	vadd.f32 v13, v20  }
0x141: {  	v11 =	vand.u32 $0x7F, v18;
	v10 =	vand.u32 $0x7F, v10;
	v18 =	vld.idx.msk [tilespmem:v7+s25+$0x0], $0xffff;
	v16 =	vadd.f32 v31, v16;
	[tilespmem:v5+s31+$0x0] =	vst.idx.msk $0xffff, v14  }
0x142: {  	s0 =	sadd.s32 $0x4, s14;
	v25 =	vadd.f32 v25, v12;
	v10 =	vor.u32 v3, v10;
	v20 =	vld.idx.msk [tilespmem:v19+s26+$0x0], $0xffff;
	v38 =	vadd.f32 v23, v15  }
0x143: {  	s2 =	sadd.s32 $0x6, s14;
	v12 =	vor.u32 v3, v11;
	v11 =	vadd.s32 s0, v2;
	v5 =	vmovc v9;
	v31 =	vld.idx.msk [tilespmem:v17+s25+$0x0], $0xffff;
	v40 =	vadd.f32 v26, v16  }
0x144: {  	v9 =	vadd.s32 s0, v0;
	v11 =	vand.u32 $0x7F, v11;
	v35 =	vadd.f32 v14, v25;
	v26 =	vld.idx.msk [tilespmem:v19+s25+$0x0], $0xffff;
	[tilespmem:v6+s31+$0x0] =	vst.idx.msk $0xffff, v13  }
0x145: {  	v9 =	vand.u32 $0x7F, v9;
	v11 =	vor.u32 v3, v11;
	v13 =	vadd.s32 s2, v0;
	v6 =	vmovc v7;
	v15 =	vmovc v19;
	v33 =	vld.idx.msk [tilespmem:v17+s26+$0x0], $0xffff  }
0x146: {  	v16 =	vor.u32 v3, v9;
	v9 =	vadd.s32 s2, v2;
	v7 =	vand.u32 $0x7F, v13  }
0x147: {  	v14 =	vand.u32 $0x7F, v9;
	v9 =	vor.u32 v3, v7;
	v13 =	vadd.f32 v28, v18  }
0x148: {  	v7 =	vor.u32 v3, v14;
	v14 =	vadd.f32 v22, v21  }
0x149: {  	v25 =	vadd.f32 v32, v41;
	v19 =	vadd.f32 v8, v24;
	v23 =	vmul.f32 v13, v13;
	v28 =	vld.idx.msk [tilespmem:v12+s26+$0x0], $0xffff  }
0x14a: {  	v18 =	vadd.f32 v27, v29;
	v20 =	vadd.f32 v20, v26;
	v26 =	vmul.f32 v14, v14;
	v30 =	vld.idx.msk [tilespmem:v12+s25+$0x0], $0xffff  }
0x14b: {  	v27 =	vadd.f32 v33, v31;
	v33 =	vadd.f32 v37, v43;
	v31 =	vmul.f32 v25, v25;
	v8 =	vld.idx.msk [tilespmem:v10+s26+$0x0], $0xffff  }
0x14c: {  	v29 =	vadd.f32 v20, v34;
	v32 =	vmul.f32 v20, v20;
	v21 =	vld.idx.msk [tilespmem:v9+s25+$0x0], $0xffff;
	[tilespmem:v36+s31+$0x0] =	vst.idx.msk $0xffff, v25  }
.Ltmp4:
0x14d: {  	v34 =	vmul.f32 v18, v18;
	v35 =	vadd.f32 v27, v35;
	v41 =	vmul.f32 v27, v27;
	v22 =	vld.idx.msk [tilespmem:v9+s26+$0x0], $0xffff;
	(pc) =	sbr.rel @p0 .LBB2_12-.Ltmp4, $4  }
0x14e: {  	v37 =	vadd.f32 v32, v38;
	v36 =	vadd.f32 v19, v29;
	v24 =	vld.idx.msk [tilespmem:v10+s25+$0x0], $0xffff;
	[tilespmem:v17+s31+$0x0] =	vst.idx.msk $0xffff, v27  }
0x14f: {  	v29 =	vadd.s32 s14, v2;
	v17 =	vadd.s32 s14, v0;
	v27 =	vld.idx.msk [tilespmem:v11+s26+$0x0], $0xffff;
	[tilespmem:v39+s31+$0x0] =	vst.idx.msk $0xffff, v33;
	v39 =	vmul.f32 v19, v19  }
0x150: {  	v32 =	vand.u32 $0x7F, v29;
	v38 =	vadd.f32 v41, v40;
	v17 =	vand.u32 $0x7F, v17;
	v29 =	vld.idx.msk [tilespmem:v11+s25+$0x0], $0xffff;
	[tilespmem:v42+s31+$0x0] =	vst.idx.msk $0xffff, v19  }
0x151: {  	v40 =	vmul.f32 v33, v33;
	v17 =	vor.u32 v3, v17;
	v19 =	vor.u32 v3, v32;
	v32 =	vld.idx.msk [tilespmem:v16+s26+$0x0], $0xffff  }
0x152: {  	_ =	sdelay $0x3  }
0x153: {  	v42 =	vld.idx.msk [tilespmem:v7+s26+$0x0], $0xffff  }
0x154: {  	v37 =	vadd.f32 v39, v37;
	v55 =	vld.idx.msk [tilespmem:v19+s26+$0x0], $0xffff  }
0x155: {  	v33 =	vadd.f32 v33, v35;
	v57 =	vld.idx.msk [tilespmem:v17+s25+$0x0], $0xffff;
	v36 =	vadd.f32 v18, v36  }
0x156: {  	v58 =	vld.idx.msk [tilespmem:v19+s25+$0x0], $0xffff;
	v21 =	vadd.f32 v22, v21;
	v28 =	vadd.f32 v28, v30  }
0x157: {  	v59 =	vld.idx.msk [tilespmem:v17+s26+$0x0], $0xffff;
	v56 =	vadd.f32 v40, v38;
	v22 =	vadd.f32 v8, v24  }
0x158: {  	v43 =	vld.idx.msk [tilespmem:v7+s25+$0x0], $0xffff;
	v34 =	vadd.f32 v34, v37;
	v25 =	vadd.f32 v25, v33  }
0x159: {  	v41 =	vld.idx.msk [tilespmem:v16+s25+$0x0], $0xffff;
	v60 =	vadd.f32 v13, v36;
	v31 =	vadd.f32 v31, v56  }
0x15a: {  	v27 =	vadd.f32 v27, v29;
	v23 =	vadd.f32 v23, v34  }
0x15b: {  	v25 =	vadd.f32 v14, v25;
	v24 =	vadd.f32 v55, v58  }
0x15c: {  	v26 =	vadd.f32 v26, v31;
	v33 =	vadd.f32 v59, v57  }
0x15d: {  	v31 =	vadd.f32 v42, v43;
	v8 =	vadd.f32 v24, v60;
	v29 =	vmul.f32 v24, v24  }
0x15e: {  	v32 =	vadd.f32 v32, v41;
	v25 =	vadd.f32 v33, v25;
	v30 =	vmul.f32 v33, v33  }
0x15f: {  	v23 =	vadd.f32 v29, v23;
	v8 =	vadd.f32 v22, v8;
	v29 =	vmul.f32 v22, v22  }
0x160: {  	v26 =	vadd.f32 v30, v26;
	v30 =	vmul.f32 v28, v28;
	v25 =	vadd.f32 v28, v25  }
0x161: {  	v61 =	vmul.f32 v27, v27;
	v23 =	vadd.f32 v29, v23;
	v8 =	vadd.f32 v27, v8  }
0x162: {  	v29 =	vmul.f32 v32, v32;
	v26 =	vadd.f32 v30, v26;
	v25 =	vadd.f32 v32, v25  }
0x163: {  	v30 =	vmul.f32 v31, v31;
	v23 =	vadd.f32 v61, v23;
	v8 =	vadd.f32 v31, v8  }
0x164: {  	v62 =	vmul.f32 v21, v21;
	v26 =	vadd.f32 v29, v26;
	v25 =	vadd.f32 v21, v25  }
0x165: {  	v23 =	vadd.f32 v30, v23  }
0x166: {  	v26 =	vadd.f32 v62, v26;
	v8 =	vadd.f32 v8, v25;
	_ =	sdelay $0x1  }
0x167: {  	v8 =	vmul.f32 $7.812500000e-03, v8;
	v23 =	vadd.f32 v23, v26;
	_ =	sdelay $0x1  }
0x168: {  	v23 =	vmul.f32 $7.812500000e-03, v23;
	v25 =	vmul.f32 v8, v8;
	_ =	sdelay $0x1  }
0x169: {  	v23 =	vsub.f32 v23, v25;
	_ =	sdelay $0x1  }
0x16a: {  	v23 =	vadd.f32 $9.999999740e-06, v23;
	_ =	sdelay $0x1  }
0x16b: {  	v25 =	vshra.s32 v23, $0x1;
	v23 =	vmul.f32 $5.000000000e-01, v23  }
0x16c: {  	v25 =	vsub.s32 $0x5F3759DF, v25  }
0x16d: {  	v26 =	vmul.f32 v25, v23;
	_ =	sdelay $0x1  }
0x16e: {  	v26 =	vmul.f32 v25, v26;
	_ =	sdelay $0x1  }
0x16f: {  	[tilespmem:v15+s31+$0x0] =	vst.idx.msk $0xffff, v20;
	v26 =	vsub.f32 $1.500000000e+00, v26  }
0x170: {  	[tilespmem:v5+s31+$0x0] =	vst.idx.msk $0xffff, v14;
	s0 =	simm.s32 $0x1  }
0x171: {  	s14 =	simm.s32 $0x4;
	[tilespmem:v6+s31+$0x0] =	vst.idx.msk $0xffff, v13;
	v5 =	vadd.s32 s0, v0;
	v25 =	vmul.f32 v25, v26  }
0x172: {  	s2 =	simm.s32 $0x2;
	v6 =	vadd.s32 s14, v0;
	[tilespmem:v12+s31+$0x0] =	vst.idx.msk $0xffff, v28;
	v5 =	vand.u32 $0x7F, v5  }
0x173: {  	s14 =	simm.s32 $0x0;
	v6 =	vand.u32 $0x7F, v6;
	[tilespmem:v10+s31+$0x0] =	vst.idx.msk $0xffff, v22;
	v10 =	vadd.s32 s2, v0;
	s2 =	simm.s32 $0x5;
	v26 =	vmul.f32 v25, v23  }
0x174: {  	s5 =	simm.s32 $0x7;
	v13 =	vadd.s32 s14, v0;
	v5 =	vor.u32 v3, v5;
	v12 =	vadd.s32 s2, v0;
	[tilespmem:v16+s31+$0x0] =	vst.idx.msk $0xffff, v32  }
0x175: {  	s12 =	simm.s32 $0x3;
	[tilespmem:v11+s31+$0x0] =	vst.idx.msk $0xffff, v27;
	v11 =	vand.u32 $0x7F, v12;
	v12 =	vadd.s32 s5, v0;
	v26 =	vmul.f32 v26, v25  }
0x176: {  	[tilespmem:v9+s31+$0x0] =	vst.idx.msk $0xffff, v21;
	v22 =	vor.u32 v3, v6;
	v9 =	vor.u32 v3, v11;
	v11 =	vadd.s32 s12, v0  }
0x177: {  	[tilespmem:v4+s31+$0x0] =	vst.idx.msk $0xffff, v18;
	s4 =	simm.s32 $0x6;
	v6 =	vand.u32 $0x7F, v10;
	v11 =	vand.u32 $0x7F, v11;
	v26 =	vsub.f32 $1.500000000e+00, v26  }
0x178: {  	[tilespmem:v17+s31+$0x0] =	vst.idx.msk $0xffff, v33;
	v10 =	vadd.s32 s4, v0;
	v30 =	vor.u32 v3, v11;
	v11 =	vand.u32 $0x7F, v13  }
0x179: {  	[tilespmem:v7+s31+$0x0] =	vst.idx.msk $0xffff, v31;
	v10 =	vand.u32 $0x7F, v10;
	v13 =	vor.u32 v3, v11;
	v15 =	vmul.f32 v26, v25  }
0x17a: {  	[tilespmem:v19+s31+$0x0] =	vst.idx.msk $0xffff, v24;
	v7 =	vor.u32 v3, v10;
	v10 =	vand.u32 $0x7F, v12  }
0x17b: {  	v12 =	vld.idx.msk [tilespmem:v5+s31+$0x0], $0xffff;
	v10 =	vor.u32 v3, v10;
	v4 =	vmul.f32 v15, v23  }
0x17c: {  	s5 =	simm.s32 $0xB;
	s4 =	simm.s32 $0xA;
	v6 =	vor.u32 v3, v6;
	v14 =	vld.idx.msk [tilespmem:v22+s31+$0x0], $0xffff  }
0x17d: {  	s2 =	simm.s32 $0x9;
	v19 =	vadd.s32 s5, v0;
	s12 =	simm.s32 $0xC;
	v18 =	vadd.s32 s4, v0;
	s4 =	simm.s32 $0xE;
	v17 =	vld.idx.msk [tilespmem:v9+s31+$0x0], $0xffff;
	v4 =	vmul.f32 v4, v15  }
0x17e: {  	v16 =	vadd.s32 s12, v0;
	v24 =	vadd.s32 s4, v0;
	v11 =	vadd.s32 s2, v0;
	v28 =	vld.idx.msk [tilespmem:v13+s31+$0x0], $0xffff  }
0x17f: {  	v18 =	vand.u32 $0x7F, v18;
	v11 =	vand.u32 $0x7F, v11;
	v27 =	vld.idx.msk [tilespmem:v30+s31+$0x0], $0xffff;
	v4 =	vsub.f32 $1.500000000e+00, v4  }
0x180: {  	v16 =	vand.u32 $0x7F, v16;
	v18 =	vor.u32 v3, v18;
	v11 =	vor.u32 v3, v11;
	v25 =	vld.idx.msk [tilespmem:v10+s31+$0x0], $0xffff  }
0x181: {  	v20 =	vsub.f32 v12, v8;
	v12 =	vor.u32 v3, v16;
	v4 =	vmul.f32 v4, v15;
	v15 =	vld.idx.msk [tilespmem:v6+s31+$0x0], $0xffff  }
0x182: {  	s14 =	simm.s32 $0xD;
	v21 =	vld.idx.msk [tilespmem:v7+s31+$0x0], $0xffff;
	v14 =	vsub.f32 v14, v8;
	v29 =	vsub.f32 v17, v8;
	v17 =	vand.u32 $0x7F, v19  }
0x183: {  	s12 =	simm.s32 $0xF;
	v17 =	vor.u32 v3, v17;
	v28 =	vsub.f32 v28, v8;
	v23 =	vadd.s32 s14, v0  }
0x184: {  	v26 =	vadd.s32 s12, v0;
	v16 =	vand.u32 $0x7F, v23;
	v23 =	vand.u32 $0x7F, v24  }
0x185: {  	v16 =	vor.u32 v3, v16;
	v25 =	vsub.f32 v25, v8;
	v24 =	vmul.f32 v14, v4  }
0x186: {  	v19 =	vld.idx.msk [tilespmem:v12+s31+$0x0], $0xffff;
	v31 =	vsub.f32 v15, v8;
	v15 =	vand.u32 $0x7F, v26;
	v26 =	vsub.f32 v27, v8  }
0x187: {  	s14 =	simm.s32 $0x8;
	v14 =	vor.u32 v3, v23;
	v23 =	vld.idx.msk [tilespmem:v11+s31+$0x0], $0xffff;
	v29 =	vmul.f32 v29, v4;
	v27 =	vsub.f32 v21, v8  }
0x188: {  	[tilespmem:v22+s31+$0x0] =	vst.idx.msk $0xffff, v24;
	v21 =	vadd.s32 s14, v0;
	v15 =	vor.u32 v3, v15;
	v63 =	vmul.f32 v26, v4  }
0x189: {  	v24 =	vmul.f32 v25, v4;
	v22 =	vld.idx.msk [tilespmem:v18+s31+$0x0], $0xffff;
	v21 =	vand.u32 $0x7F, v21;
	v26 =	vmul.f32 v28, v4  }
0x18a: {  	s12 =	simm.s32 $0x10;
	v25 =	vld.idx.msk [tilespmem:v16+s31+$0x0], $0xffff;
	v21 =	vor.u32 v3, v21;
	v28 =	vmul.f32 v31, v4;
	[tilespmem:v30+s31+$0x0] =	vst.idx.msk $0xffff, v63  }
.LBB2_14:
0x18b: {  	s0 =	sadd.s32 $0x1, s12;
	v20 =	vmul.f32 v20, v4  }
0x18c: {  	s2 =	sadd.s32 $0x2, s12;
	s5 =	sadd.s32 $0x3, s12;
	v30 =	vld.idx.msk [tilespmem:v14+s31+$0x0], $0xffff;
	[tilespmem:v9+s31+$0x0] =	vst.idx.msk $0xffff, v29;
	v27 =	vmul.f32 v27, v4;
	v9 =	vmov v16;
	v31 =	vmov v17;
	s14 =	smov.u32 s12  }
0x18d: {  	v16 =	vadd.s32 s0, v0;
	v29 =	vadd.s32 s2, v0;
	v32 =	vadd.s32 s5, v0;
	s0 =	sadd.s32 $0x4, s12;
	s2 =	sadd.s32 $0x5, s12;
	s5 =	sadd.s32 $0x6, s12;
	v33 =	vld.idx.msk [tilespmem:v15+s31+$0x0], $0xffff;
	[tilespmem:v6+s31+$0x0] =	vst.idx.msk $0xffff, v28;
	v6 =	vmovc v18  }
0x18e: {  	p0 =	slt.u32 s12, $0x78;
	s12 =	sadd.s32 $0x8, s12;
	v18 =	vadd.s32 s0, v0;
	v28 =	vadd.s32 s2, v0;
	v34 =	vadd.s32 s5, v0;
	s0 =	sadd.s32 $0x7, s14;
	[tilespmem:v5+s31+$0x0] =	vst.idx.msk $0xffff, v20;
	v5 =	vmovc v11  }
0x18f: {  	v20 =	vsub.f32 v23, v8;
	v11 =	vand.u32 $0x7F, v18;
	v35 =	vadd.s32 s0, v0;
	v23 =	vld.idx.msk [tilespmem:v17+s31+$0x0], $0xffff;
	[tilespmem:v13+s31+$0x0] =	vst.idx.msk $0xffff, v26  }
0x190: {  	v13 =	vand.u32 $0x7F, v16;
	v16 =	vand.u32 $0x7F, v28;
	v36 =	vor.u32 v3, v11;
	v26 =	vld.idx.msk [tilespmem:v21+s31+$0x0], $0xffff;
	[tilespmem:v10+s31+$0x0] =	vst.idx.msk $0xffff, v24  }
0x191: {  	v11 =	vor.u32 v3, v13;
	v16 =	vor.u32 v3, v16;
	v24 =	vand.u32 $0x7F, v34;
	[tilespmem:v7+s31+$0x0] =	vst.idx.msk $0xffff, v27  }
0x192: {  	v19 =	vsub.f32 v19, v8;
	v17 =	vand.u32 $0x7F, v29;
	v25 =	vsub.f32 v25, v8;
	v10 =	vmovc v15;
	v7 =	vmovc v14  }
0x193: {  	v28 =	vsub.f32 v22, v8;
	v18 =	vor.u32 v3, v17;
	v14 =	vand.u32 $0x7F, v32;
	v13 =	vmovc v21  }
0x194: {  	v17 =	vor.u32 v3, v14;
	v21 =	vmul.f32 v19, v4;
	v22 =	vsub.f32 v33, v8  }
.Ltmp5:
0x195: {  	v15 =	vand.u32 $0x7F, v35;
	v14 =	vor.u32 v3, v24;
	v24 =	vsub.f32 v23, v8;
	v19 =	vld.idx.msk [tilespmem:v36+s31+$0x0], $0xffff;
	(pc) =	sbr.rel @p0 .LBB2_14-.Ltmp5, $4  }
0x196: {  	v15 =	vor.u32 v3, v15;
	v27 =	vsub.f32 v30, v8;
	v26 =	vsub.f32 v26, v8;
	v23 =	vld.idx.msk [tilespmem:v11+s31+$0x0], $0xffff  }
0x197: {  	v29 =	vadd.s32 s14, v0;
	v30 =	vmul.f32 v24, v4;
	v24 =	vmul.f32 v22, v4;
	[tilespmem:v12+s31+$0x0] =	vst.idx.msk $0xffff, v21  }
0x198: {  	v21 =	vand.u32 $0x7F, v29;
	v26 =	vmul.f32 v26, v4;
	v29 =	vmul.f32 v25, v4;
	v12 =	vmovc v36;
	v22 =	vld.idx.msk [tilespmem:v18+s31+$0x0], $0xffff  }
0x199: {  	v28 =	vmul.f32 v28, v4;
	v21 =	vor.u32 v3, v21;
	v25 =	vld.idx.msk [tilespmem:v16+s31+$0x0], $0xffff;
	[tilespmem:v31+s31+$0x0] =	vst.idx.msk $0xffff, v30  }
0x19a: {  	_ =	sdelay $0x3  }
0x19b: {  	v3 =	vld.idx.msk [tilespmem:v17+s31+$0x0], $0xffff;
	[tilespmem:v9+s31+$0x0] =	vst.idx.msk $0xffff, v29  }
0x19c: {  	[tilespmem:v13+s31+$0x0] =	vst.idx.msk $0xffff, v26  }
0x19d: {  	v20 =	vmul.f32 v20, v4;
	v53 =	vld.idx.msk [tilespmem:v21+s31+$0x0], $0xffff;
	v54 =	vsub.f32 v19, v8;
	[tilespmem:v10+s31+$0x0] =	vst.idx.msk $0xffff, v24  }
0x19e: {  	v55 =	vmul.f32 v27, v4;
	v57 =	vld.idx.msk [tilespmem:v14+s31+$0x0], $0xffff;
	[tilespmem:v6+s31+$0x0] =	vst.idx.msk $0xffff, v28;
	v60 =	vsub.f32 v23, v8  }
0x19f: {  	v56 =	vld.idx.msk [tilespmem:v15+s31+$0x0], $0xffff;
	[tilespmem:v5+s31+$0x0] =	vst.idx.msk $0xffff, v20;
	v6 =	vmul.f32 v54, v4;
	v59 =	vsub.f32 v22, v8  }
0x1a0: {  	[tilespmem:v7+s31+$0x0] =	vst.idx.msk $0xffff, v55;
	v9 =	vmul.f32 v60, v4;
	v3 =	vsub.f32 v3, v8  }
0x1a1: {  	v58 =	vsub.f32 v25, v8;
	[tilespmem:v12+s31+$0x0] =	vst.idx.msk $0xffff, v6;
	v7 =	vmul.f32 v59, v4  }
0x1a2: {  	s11 =	sadd.s32 $0x1, s11;
	v5 =	vsub.f32 v53, v8;
	[tilespmem:v11+s31+$0x0] =	vst.idx.msk $0xffff, v9;
	v3 =	vmul.f32 v3, v4  }
0x1a3: {  	p0 =	sne.s32 s11, $0x8;
	v62 =	vsub.f32 v57, v8;
	v61 =	vmul.f32 v58, v4;
	[tilespmem:v18+s31+$0x0] =	vst.idx.msk $0xffff, v7  }
.Ltmp6:
0x1a4: {  	v5 =	vmul.f32 v5, v4;
	[tilespmem:v17+s31+$0x0] =	vst.idx.msk $0xffff, v3;
	v3 =	vsub.f32 v56, v8;
	(pc) =	sbr.rel @p0 .LBB2_11-.Ltmp6, $4  }
0x1a5: {  	v63 =	vmul.f32 v62, v4;
	[tilespmem:v16+s31+$0x0] =	vst.idx.msk $0xffff, v61  }
0x1a6: {  	[tilespmem:v21+s31+$0x0] =	vst.idx.msk $0xffff, v5;
	v3 =	vmul.f32 v3, v4  }
0x1a7: {  	[tilespmem:v14+s31+$0x0] =	vst.idx.msk $0xffff, v63  }
0x1a8: {  	[tilespmem:v15+s31+$0x0] =	vst.idx.msk $0xffff, v3  }
0x1a9: {  	v3 =	vld [tilespmem:$0x18200]  }
0x1aa: {  	v12 =	vld [tilespmem:$0x18210]  }
0x1ab: {  	v13 =	vld [tilespmem:$0x18220]  }
0x1ac: {  	v10 =	vld [tilespmem:$0x18230]  }
0x1ad: {  	v8 =	vld [tilespmem:$0x18240]  }
0x1ae: {  	v6 =	vld [tilespmem:$0x18250]  }
0x1af: {  	v5 =	vld [tilespmem:$0x18260]  }
0x1b0: {  	v17 =	vld [tilespmem:$0x18270]  }
0x1b1: {  	v4 =	vld [tilespmem:$0x18280]  }
0x1b2: {  	v16 =	vld [tilespmem:$0x18290]  }
0x1b3: {  	v15 =	vld [tilespmem:$0x182A0]  }
0x1b4: {  	v14 =	vld [tilespmem:$0x182B0]  }
0x1b5: {  	v11 =	vld [tilespmem:$0x182C0]  }
0x1b6: {  	v9 =	vld [tilespmem:$0x182D0]  }
0x1b7: {  	v7 =	vld [tilespmem:$0x182E0]  }
0x1b8: {  	s11 =	simm.s32 $0x14280;
	v18 =	vld [tilespmem:$0x182F0]  }
0x1b9: {  	v19 =	vld [tilespmem:s11+$0x70]  }
0x1ba: {  	v20 =	vld [tilespmem:s11+$0xFFFFFF90]  }
0x1bb: {  	v21 =	vld [tilespmem:s11+$0xFFFFFFA0]  }
0x1bc: {  	v22 =	vld [tilespmem:s11+$0xFFFFFFB0]  }
0x1bd: {  	v23 =	vld [tilespmem:s11+$0xFFFFFFC0]  }
0x1be: {  	v24 =	vld [tilespmem:s11+$0xFFFFFFD0];
	v19 =	vmul.f32 v19, v17  }
0x1bf: {  	v25 =	vld [tilespmem:s11+$0xFFFFFFE0];
	v20 =	vmul.f32 v20, v12  }
0x1c0: {  	v26 =	vld [tilespmem:s11+$0xFFFFFFF0];
	v21 =	vmul.f32 v21, v13;
	v19 =	vadd.f32 v19, v18  }
0x1c1: {  	v27 =	vld [tilespmem:s11+$0x0];
	v22 =	vmul.f32 v22, v10;
	v20 =	vadd.f32 v20, v16  }
0x1c2: {  	v28 =	vld [tilespmem:s11+$0x10];
	v23 =	vmul.f32 v23, v8;
	v21 =	vadd.f32 v21, v15;
	[tilespmem:s11+$0x70] =	vst v19  }
0x1c3: {  	v29 =	vld [tilespmem:s11+$0x20];
	[tilespmem:s11+$0xFFFFFF90] =	vst v20;
	v19 =	vadd.f32 v22, v14;
	v22 =	vmul.f32 v24, v6  }
0x1c4: {  	v23 =	vadd.f32 v23, v11;
	[tilespmem:s11+$0xFFFFFFA0] =	vst v21;
	v24 =	vmul.f32 v25, v5;
	v20 =	vld [tilespmem:s11+$0x30]  }
0x1c5: {  	v25 =	vmul.f32 v26, v17;
	v21 =	vld [tilespmem:s11+$0x40];
	[tilespmem:s11+$0xFFFFFFB0] =	vst v19;
	v19 =	vadd.f32 v22, v9  }
0x1c6: {  	v27 =	vmul.f32 v27, v3;
	[tilespmem:s11+$0xFFFFFFC0] =	vst v23;
	v26 =	vadd.f32 v24, v7;
	v22 =	vld [tilespmem:s11+$0x50]  }
0x1c7: {  	v23 =	vld [tilespmem:s11+$0x60];
	v24 =	vadd.f32 v25, v18;
	v25 =	vmul.f32 v28, v12;
	[tilespmem:s11+$0xFFFFFFD0] =	vst v19  }
0x1c8: {  	s12 =	simm.s32 $0x0;
	s14 =	simm.s32 $0x14380;
	v19 =	vld [tilespmem:s11+$0xFFFFFF80];
	[tilespmem:s11+$0xFFFFFFE0] =	vst v26;
	v26 =	vadd.f32 v27, v4;
	v27 =	vmul.f32 v29, v13  }
.LBB2_17:
0x1c9: {  	v28 =	vld [tilespmem:s14+$0x70];
	s12 =	sadd.s32 $0x2, s12;
	[tilespmem:s11+$0xFFFFFFF0] =	vst v24;
	v24 =	vadd.f32 v25, v16;
	v20 =	vmul.f32 v20, v10  }
0x1ca: {  	v25 =	vld [tilespmem:s14+$0xFFFFFF90];
	p0 =	slt.u32 s12, $0x7E;
	[tilespmem:s11+$0x0] =	vst v26;
	v26 =	vadd.f32 v27, v15;
	v21 =	vmul.f32 v21, v8  }
0x1cb: {  	v27 =	vld [tilespmem:s14+$0xFFFFFFA0];
	[tilespmem:s11+$0x10] =	vst v24;
	v20 =	vadd.f32 v20, v14;
	v22 =	vmul.f32 v22, v6  }
0x1cc: {  	v24 =	vld [tilespmem:s14+$0xFFFFFFB0];
	[tilespmem:s11+$0x20] =	vst v26;
	v21 =	vadd.f32 v21, v11;
	v23 =	vmul.f32 v23, v5  }
0x1cd: {  	v26 =	vld [tilespmem:s14+$0xFFFFFFC0];
	v19 =	vmul.f32 v19, v3;
	[tilespmem:s11+$0x30] =	vst v20;
	v20 =	vadd.f32 v22, v9  }
0x1ce: {  	v22 =	vld [tilespmem:s14+$0xFFFFFFD0];
	v28 =	vmul.f32 v28, v17;
	[tilespmem:s11+$0x40] =	vst v21;
	v21 =	vadd.f32 v23, v7  }
0x1cf: {  	v23 =	vmul.f32 v25, v12;
	v25 =	vld [tilespmem:s14+$0xFFFFFFE0];
	v19 =	vadd.f32 v19, v4;
	[tilespmem:s11+$0x50] =	vst v20  }
0x1d0: {  	v20 =	vmul.f32 v27, v13;
	v27 =	vld [tilespmem:s14+$0xFFFFFFF0];
	v28 =	vadd.f32 v28, v18;
	[tilespmem:s11+$0x60] =	vst v21  }
0x1d1: {  	v21 =	vadd.f32 v23, v16;
	v23 =	vmul.f32 v24, v10;
	v24 =	vld [tilespmem:s14+$0x0];
	[tilespmem:s11+$0xFFFFFF80] =	vst v19;
	s11 =	smov.u32 s14  }
0x1d2: {  	v19 =	vadd.f32 v20, v15;
	v20 =	vmul.f32 v26, v8;
	v26 =	vld [tilespmem:s14+$0x10];
	[tilespmem:s14+$0x70] =	vst v28  }
0x1d3: {  	[tilespmem:s14+$0xFFFFFF90] =	vst v21;
	v21 =	vadd.f32 v23, v14;
	v22 =	vmul.f32 v22, v6;
	v28 =	vld [tilespmem:s14+$0x20]  }
.Ltmp7:
0x1d4: {  	[tilespmem:s14+$0xFFFFFFA0] =	vst v19;
	v19 =	vadd.f32 v20, v11;
	v23 =	vmul.f32 v25, v5;
	v20 =	vld [tilespmem:s14+$0x30];
	(pc) =	sbr.rel @p0 .LBB2_17-.Ltmp7, $4  }
0x1d5: {  	[tilespmem:s14+$0xFFFFFFB0] =	vst v21;
	v25 =	vadd.f32 v22, v9;
	v27 =	vmul.f32 v27, v17;
	v21 =	vld [tilespmem:s14+$0x40]  }
0x1d6: {  	[tilespmem:s14+$0xFFFFFFC0] =	vst v19;
	v29 =	vadd.f32 v23, v7;
	v30 =	vmul.f32 v24, v3;
	v22 =	vld [tilespmem:s14+$0x50]  }
0x1d7: {  	[tilespmem:s14+$0xFFFFFFD0] =	vst v25;
	v24 =	vadd.f32 v27, v18;
	v25 =	vmul.f32 v26, v12;
	v23 =	vld [tilespmem:s14+$0x60]  }
0x1d8: {  	s14 =	sadd.s32 $0x100, s14;
	v19 =	vld [tilespmem:s11+$0xFFFFFF80];
	[tilespmem:s11+$0xFFFFFFE0] =	vst v29;
	v26 =	vadd.f32 v30, v4;
	v27 =	vmul.f32 v28, v13  }
0x1d9: {  	[tilespmem:s11+$0xFFFFFFF0] =	vst v24;
	v12 =	vadd.f32 v25, v16;
	v10 =	vmul.f32 v20, v10  }
0x1da: {  	[tilespmem:s11+$0x0] =	vst v26;
	v13 =	vadd.f32 v27, v15;
	v8 =	vmul.f32 v21, v8  }
0x1db: {  	[tilespmem:s11+$0x10] =	vst v12;
	v10 =	vadd.f32 v10, v14;
	v6 =	vmul.f32 v22, v6  }
0x1dc: {  	s3 =	sadd.s32 $0x1, s3;
	[tilespmem:s11+$0x20] =	vst v13;
	v8 =	vadd.f32 v8, v11;
	v5 =	vmul.f32 v23, v5  }
0x1dd: {  	p0 =	sne.s32 s3, $0x19;
	v3 =	vmul.f32 v19, v3;
	[tilespmem:s11+$0x30] =	vst v10;
	v6 =	vadd.f32 v6, v9  }
.Ltmp8:
0x1de: {  	[tilespmem:s11+$0x40] =	vst v8;
	v5 =	vadd.f32 v5, v7;
	(pc) =	sbr.rel @p0 .LBB2_2-.Ltmp8, $4  }
0x1df: {  	s0 =	sshll.u32 s15, $0xB;
	v3 =	vadd.f32 v3, v4;
	[tilespmem:s11+$0x50] =	vst v6  }
0x1e0: {  	s0 =	sand.u32 $0x1FFFF800, s0;
	[tilespmem:s11+$0x60] =	vst v5  }
0x1e1: {  	s0 =	sadd.s32 s18, s0;
	[tilespmem:s11+$0xFFFFFF80] =	vst v3  }
0x1e2: {  	[hbm4b:s0+s6] =	stream.linear.scatter [tilespmem:s31], [sflag:$0x6], $0x4000, $0x38;
	[tilespmem:$0x18300] =	vst v63  }
0x1e3: {  	s0 =	simm.s32 $0x5  }
0x1e4: {  	_ =	swait.ge [sflag:s0], $0x4000  }
0x1e5: {  	[sflag:s0] =	ssyncset.done $0x0  }
0x1e6: {  	s2 =	simm.s32 $0x6;
	[sflag:s0] =	ssyncadd.s32 $0xFFFFC000  }
0x1e7: {  	_ =	swait.ge [sflag:s2], $0x4000  }
0x1e8: {  	s3 =	rddreg [dreg:$0x9]  }
0x1e9: {  	s17 =	rddreg [dreg:$0x8];
	s3 =	sadd.s32 $0x1, s3  }
0x1ea: {  	p0 =	sne.s32 s3, s17  }
.Ltmp9:
0x1eb: {  	_ = 	snop;
	(pc) =	sbr.rel @p0 .LBB2_1-.Ltmp9, $3  }
0x1ec: {  	_ =	sdelay $0x1  }
0x1ed: {  	[sflag:s2] =	ssyncset.done $0x0  }
0x1ee: {  	[sflag:s2] =	ssyncadd.s32 $0xFFFFC000  }
0x1ef: {  	_ =	sfence.sel $0x180000  }
0x1f0: {  	[bflag:$0x0] =	sbarrier.arrive $0xFFFF  }
0x1f1: {  	_ =	strace $0x90000047  }
0x1f2: {  	s0 =	stileid.u32;
	[bflag:$0x2] =	sbarrier.arrive $0xFFFF  }
0x1f3: {  	p0 =	sne.s32 s0, $0x0;
	s0 =	rddreg [dreg:$0x5]  }
0x1f4: {  	s0 =	sadd.s32 @!p0 $0x100000, s0  }
0x1f5: {  	[sflag:s0] =	ssyncadd.tile.s32 @!p0 $0x1;
	_ =	shalt  }
.Lfunc_end2:
_tile_overlayer_lowered:
.L_overlay_start_2:
0x1f6: {  	(tag) =	ssettag $0x2  }
0x1f7: {  	s0 =	rddreg [dreg:$0x0];
	s2 =	stileid.u32  }
0x1f8: {  	s1 =	rddreg [dreg:$0x1];
	p0 =	sne.s32 s2, $0x0  }
0x1f9: {  	s3 =	rddreg [dreg:$0x2];
	[bflag:$0x3] =	sbarrier.arrive $0xFFFF;
	s2 =	simm.s32 @!p0 $0x1C07  }
0x1fa: {  	[timem:s3], [sflag:s2] =	dma.local @!p0 [hbm:s0], s1  }
0x1fb: {  	s0 =	simm.s32 @!p0 $0x7  }
0x1fc: {  	_ =	swait.ge @!p0 [sflag:s0], s1  }
0x1fd: {  	s1 =	ssub.s32 @!p0 $0x0, s1;
	[sflag:s0] =	ssyncset.done @!p0 $0x0  }
0x1fe: {  	[sflag:s0] =	ssyncadd.s32 @!p0 s1  }
0x1ff: {  	[bflag:$0x3] =	sbarrier.arrive $0xFFFF  }
0x200: {  	_ =	shalt  }

</sc_bundles>
